<compile_context>
chip_gen: v7x
topology: tpu7x:2x2x1
jax: 0.10.2.dev20260603
libtpu: 0.0.44.dev20260713+nightly
codegen_flags: <defaults>
</compile_context>

<pallas_src>
import functools

import jax
import jax.numpy as jnp
from jax import lax
from jax.experimental import pallas as pl
from jax.experimental.pallas import tpu as pltpu
from jax.experimental.pallas import tpu_sc as plsc

NC = 2
NS = 16
K = 125
NPAD = 10240
DW = 128


def _sc_degree(dst2d, n):
    nchunks = dst2d.shape[0]
    cpt = nchunks // (NC * NS)
    rpt = NPAD // NS
    ones = jnp.ones((K, DW), jnp.float32)
    zeros = jnp.zeros((rpt, DW), jnp.float32)
    mesh = plsc.VectorSubcoreMesh(core_axis_name="c", subcore_axis_name="s")

    @functools.partial(
        pl.kernel,
        out_type=jax.ShapeDtypeStruct((NC, NPAD, DW), jnp.float32),
        mesh=mesh,
        scratch_types=[
            pltpu.VMEM((cpt, K), jnp.int32),
            pltpu.VMEM((K, DW), jnp.float32),
            pltpu.VMEM_SHARED((NPAD, DW), jnp.float32),
        ],
    )
    def deg_kernel(dst_hbm, ones_hbm, z_hbm, out_hbm, dst_v, ones_v, acc):
        c = lax.axis_index("c")
        s = lax.axis_index("s")
        wid = c * NS + s
        pltpu.sync_copy(z_hbm, acc.at[pl.ds(s * rpt, rpt)])
        pltpu.sync_copy(dst_hbm.at[pl.ds(wid * cpt, cpt)], dst_v)
        pltpu.sync_copy(ones_hbm, ones_v)
        plsc.subcore_barrier()

        def body(j, carry):
            pltpu.sync_copy(ones_v, acc.at[dst_v.at[j]], add=True)
            return carry

        lax.fori_loop(0, cpt, body, 0, unroll=False)
        plsc.subcore_barrier()
        pltpu.sync_copy(acc.at[pl.ds(s * rpt, rpt)],
                        out_hbm.at[c, pl.ds(s * rpt, rpt)])

    return deg_kernel(dst2d, ones, zeros)


def _sc_aggregate(u, src2d, dst2d):
    n, d = u.shape
    nchunks = src2d.shape[0]
    cpt = nchunks // (NC * NS)
    rpt = NPAD // NS
    zeros = jnp.zeros((rpt, d), jnp.float32)
    mesh = plsc.VectorSubcoreMesh(core_axis_name="c", subcore_axis_name="s")

    @functools.partial(
        pl.kernel,
        out_type=jax.ShapeDtypeStruct((NC, NPAD, d), jnp.float32),
        mesh=mesh,
        scratch_types=[
            pltpu.VMEM((cpt, K), jnp.int32),
            pltpu.VMEM((cpt, K), jnp.int32),
            pltpu.VMEM((K, d), jnp.float32),
            pltpu.VMEM_SHARED((NPAD, d), jnp.float32),
            pltpu.SemaphoreType.DMA,
        ],
    )
    def agg_kernel(u_hbm, src_hbm, dst_hbm, z_hbm, out_hbm,
                   src_v, dst_v, rows0, acc, gsem):
        c = lax.axis_index("c")
        s = lax.axis_index("s")
        wid = c * NS + s
        pltpu.sync_copy(src_hbm.at[pl.ds(wid * cpt, cpt)], src_v)
        pltpu.sync_copy(dst_hbm.at[pl.ds(wid * cpt, cpt)], dst_v)
        pltpu.sync_copy(z_hbm, acc.at[pl.ds(s * rpt, rpt)])
        plsc.subcore_barrier()

        def body(j, carry):
            pltpu.async_copy(u_hbm.at[src_v.at[j]], rows0, gsem).wait()
            pltpu.sync_copy(rows0, acc.at[dst_v.at[j]], add=True)
            return carry

        lax.fori_loop(0, cpt, body, 0, unroll=False)
        plsc.subcore_barrier()
        pltpu.sync_copy(acc.at[pl.ds(s * rpt, rpt)],
                        out_hbm.at[c, pl.ds(s * rpt, rpt)])

    return agg_kernel(u, src2d, dst2d, zeros)


def _sc_aggregate2(ua, ub, src2d, dst2d):
    n, d = ua.shape
    nchunks = src2d.shape[0]
    cpt = nchunks // (NC * NS)
    rpt = NPAD // NS
    zeros = jnp.zeros((rpt, d), jnp.float32)
    mesh = plsc.VectorSubcoreMesh(core_axis_name="c", subcore_axis_name="s")
    out_t = jax.ShapeDtypeStruct((NC, NPAD, d), jnp.float32)

    @functools.partial(
        pl.kernel,
        out_type=(out_t, out_t),
        mesh=mesh,
        scratch_types=[
            pltpu.VMEM((cpt, K), jnp.int32),
            pltpu.VMEM((cpt, K), jnp.int32),
            pltpu.VMEM((K, d), jnp.float32),
            pltpu.VMEM_SHARED((NPAD, d), jnp.float32),
            pltpu.SemaphoreType.DMA,
        ],
    )
    def agg2_kernel(ua_hbm, ub_hbm, src_hbm, dst_hbm, z_hbm,
                    outa_hbm, outb_hbm, src_v, dst_v, rows0, acc, gsem):
        c = lax.axis_index("c")
        s = lax.axis_index("s")
        wid = c * NS + s
        pltpu.sync_copy(src_hbm.at[pl.ds(wid * cpt, cpt)], src_v)
        pltpu.sync_copy(dst_hbm.at[pl.ds(wid * cpt, cpt)], dst_v)

        for u_hbm, out_hbm in ((ua_hbm, outa_hbm), (ub_hbm, outb_hbm)):
            pltpu.sync_copy(z_hbm, acc.at[pl.ds(s * rpt, rpt)])
            plsc.subcore_barrier()

            def body(j, carry):
                pltpu.async_copy(u_hbm.at[src_v.at[j]], rows0, gsem).wait()
                pltpu.sync_copy(rows0, acc.at[dst_v.at[j]], add=True)
                return carry

            lax.fori_loop(0, cpt, body, 0, unroll=False)
            plsc.subcore_barrier()
            pltpu.sync_copy(acc.at[pl.ds(s * rpt, rpt)],
                            out_hbm.at[c, pl.ds(s * rpt, rpt)])
            plsc.subcore_barrier()

    return agg2_kernel(ua, ub, src2d, dst2d, zeros)


_ROWS = 2000


def _row_spec(d):
    return pl.BlockSpec((_ROWS, d), lambda i: (i, 0))


def _full_spec(r, c):
    return pl.BlockSpec((r, c), lambda i: (0, 0))


def _dinv(d0_ref, d1_ref):
    deg = d0_ref[...][:, :1] + d1_ref[...][:, :1] + 1.0
    return lax.rsqrt(deg)


def _tc_lin1(x, W1):
    n, din = x.shape
    d1 = W1.shape[1]
    h = d1 // 2

    def body(x_r, w_r, oa_r, ob_r):
        t = jnp.dot(x_r[...], w_r[...], preferred_element_type=jnp.float32)
        oa_r[...] = t[:, :h]
        ob_r[...] = t[:, h:]

    return pl.pallas_call(
        body,
        grid=(n // _ROWS,),
        in_specs=[_row_spec(din), _full_spec(din, d1)],
        out_specs=[_row_spec(h), _row_spec(h)],
        out_shape=[jax.ShapeDtypeStruct((n, h), jnp.float32),
                   jax.ShapeDtypeStruct((n, h), jnp.float32)],
    )(x, W1)


def _tc_scale2(ta, tb, deg0, deg1):
    n, h = ta.shape

    def body(ta_r, tb_r, d0_r, d1_r, oa_r, ob_r):
        dinv = _dinv(d0_r, d1_r)
        oa_r[...] = dinv * ta_r[...]
        ob_r[...] = dinv * tb_r[...]

    return pl.pallas_call(
        body,
        grid=(n // _ROWS,),
        in_specs=[_row_spec(h), _row_spec(h), _row_spec(DW), _row_spec(DW)],
        out_specs=[_row_spec(h), _row_spec(h)],
        out_shape=[jax.ShapeDtypeStruct((n, h), jnp.float32),
                   jax.ShapeDtypeStruct((n, h), jnp.float32)],
    )(ta, tb, deg0, deg1)


def _tc_layer1(sa, sb, u1a, u1b, deg0, deg1, b1, W2):
    n, h = u1a.shape
    d2 = W2.shape[1]

    def body(sa0_r, sa1_r, sb0_r, sb1_r, ua_r, ub_r, d0_r, d1_r,
             b1_r, w2_r, o_r):
        dinv = _dinv(d0_r, d1_r)
        ga = dinv * (sa0_r[...] + sa1_r[...] + ua_r[...])
        gb = dinv * (sb0_r[...] + sb1_r[...] + ub_r[...])
        g = jnp.concatenate([ga, gb], axis=1)
        y = jnp.maximum(g + b1_r[...], 0.0)
        o_r[...] = dinv * jnp.dot(y, w2_r[...],
                                  preferred_element_type=jnp.float32)

    return pl.pallas_call(
        body,
        grid=(n // _ROWS,),
        in_specs=[_row_spec(h), _row_spec(h), _row_spec(h), _row_spec(h),
                  _row_spec(h), _row_spec(h),
                  _row_spec(DW), _row_spec(DW),
                  _full_spec(1, 2 * h), _full_spec(2 * h, d2)],
        out_specs=_row_spec(d2),
        out_shape=jax.ShapeDtypeStruct((n, d2), jnp.float32),
    )(sa[0], sa[1], sb[0], sb[1], u1a, u1b, deg0, deg1, b1, W2)


def _tc_layer2(sp, u2, deg0, deg1, b2, W3p):
    n, din = u2.shape
    d3 = W3p.shape[1]

    def body(s0_r, s1_r, u_r, d0_r, d1_r, b2_r, w3_r, o_r):
        dinv = _dinv(d0_r, d1_r)
        g = dinv * (s0_r[...] + s1_r[...] + u_r[...])
        y = jnp.maximum(g + b2_r[...], 0.0)
        o_r[...] = dinv * jnp.dot(y, w3_r[...],
                                  preferred_element_type=jnp.float32)

    return pl.pallas_call(
        body,
        grid=(n // _ROWS,),
        in_specs=[_row_spec(din), _row_spec(din), _row_spec(din),
                  _row_spec(DW), _row_spec(DW),
                  _full_spec(1, din), _full_spec(din, d3)],
        out_specs=_row_spec(d3),
        out_shape=jax.ShapeDtypeStruct((n, d3), jnp.float32),
    )(sp[0], sp[1], u2, deg0, deg1, b2, W3p)


def _tc_layer3(sp, u3, deg0, deg1, b3p, Wl, bl, d3):
    n, din = u3.shape

    def body(s0_r, s1_r, u_r, d0_r, d1_r, b3_r, wl_r, bl_r, o_r):
        dinv = _dinv(d0_r, d1_r)
        g = dinv * (s0_r[...] + s1_r[...] + u_r[...])
        y = jnp.maximum(g + b3_r[...], 0.0)
        o_r[...] = jnp.dot(y[:, :d3], wl_r[...],
                           preferred_element_type=jnp.float32) + bl_r[...]

    return pl.pallas_call(
        body,
        grid=(n // _ROWS,),
        in_specs=[_row_spec(din), _row_spec(din), _row_spec(din),
                  _row_spec(DW), _row_spec(DW),
                  _full_spec(1, din), _full_spec(d3, 1), _full_spec(1, 1)],
        out_specs=_row_spec(1),
        out_shape=jax.ShapeDtypeStruct((n, 1), jnp.float32),
    )(sp[0], sp[1], u3, deg0, deg1, b3p, Wl, bl)


@jax.jit
def kernel(x, edge_index, W1, b1, W2, b2, W3, b3, Wl, bl):
    n = x.shape[0]
    e = edge_index.shape[1]
    cpt = -(-e // (NC * NS * K))
    cpt = (cpt + 7) // 8 * 8
    epad = NC * NS * cpt * K - e
    if epad:
        pad_dst = n + (jnp.arange(epad, dtype=edge_index.dtype)
                       % (NPAD - n))
        src_flat = jnp.concatenate(
            [edge_index[0], jnp.zeros((epad,), edge_index.dtype)])
        dst_flat = jnp.concatenate([edge_index[1], pad_dst])
    else:
        src_flat, dst_flat = edge_index[0], edge_index[1]
    src2d = src_flat.reshape(-1, K)
    dst2d = dst_flat.reshape(-1, K)

    d3 = W3.shape[1]
    W3p = jnp.pad(W3, ((0, 0), (0, DW - d3)))
    b3p = jnp.pad(b3, (0, DW - d3))

    t1a, t1b = _tc_lin1(x, W1)
    degp = _sc_degree(dst2d, n)
    deg0, deg1 = degp[0], degp[1]

    u1a, u1b = _tc_scale2(t1a, t1b, deg0, deg1)
    sa, sb = _sc_aggregate2(u1a, u1b, src2d, dst2d)
    u2 = _tc_layer1(sa, sb, u1a, u1b, deg0, deg1,
                    b1.reshape(1, -1), W2)
    s2 = _sc_aggregate(u2, src2d, dst2d)
    u3 = _tc_layer2(s2, u2, deg0, deg1,
                    b2.reshape(1, -1), W3p)
    s3 = _sc_aggregate(u3, src2d, dst2d)
    out = _tc_layer3(s3, u3, deg0, deg1,
                     b3p.reshape(1, -1), Wl,
                     bl.reshape(1, 1), d3)
    return out

# --- scband reference (transcript-rebuilt; emitter-appended) ---
"""Pipeline reference for scband-gcnregreesion-64467459113444 (READ-ONLY COPY).

The authoritative reference and input builder live on the scoring server;
editing this copy changes nothing except your own understanding.
"""

import jax, jax.numpy as jnp
import numpy as np

N = 10000
E = 320000
DIN = 128
DH = 64
DOUT = 1


def setup_inputs(seed: int = 0) -> dict:
    key = jax.random.key(seed)
    ks = jax.random.split(key, 12)
    x = jax.random.normal(ks[0], (N, DIN), dtype=jnp.float32)
    edge_index = jax.random.randint(ks[1], (2, E), 0, N, dtype=jnp.int32)
    d1 = DH * 4  # 256
    d2 = DH * 2  # 128
    d3 = DH      # 64
    W1 = jax.random.normal(ks[2], (DIN, d1), dtype=jnp.float32) * (1.0 / np.sqrt(DIN))
    b1 = jnp.zeros((d1,), dtype=jnp.float32)
    W2 = jax.random.normal(ks[3], (d1, d2), dtype=jnp.float32) * (1.0 / np.sqrt(d1))
    b2 = jnp.zeros((d2,), dtype=jnp.float32)
    W3 = jax.random.normal(ks[4], (d2, d3), dtype=jnp.float32) * (1.0 / np.sqrt(d2))
    b3 = jnp.zeros((d3,), dtype=jnp.float32)
    Wl = jax.random.normal(ks[5], (d3, DOUT), dtype=jnp.float32) * (1.0 / np.sqrt(d3))
    bl = jnp.zeros((DOUT,), dtype=jnp.float32)
    return {"x": x, "edge_index": edge_index, "W1": W1, "b1": b1, "W2": W2, "b2": b2, "W3": W3, "b3": b3, "Wl": Wl, "bl": bl}


def _gcn_layer(x, src, dst, norm, W, b):
    # PyG GCNConv: linear transform, then normalized scatter-add aggregation, then bias
    h = x @ W
    msg = h[src] * norm[:, None]
    out = jax.ops.segment_sum(msg, dst, num_segments=N)
    return out + b


def reference(x, edge_index, W1, b1, W2, b2, W3, b3, Wl, bl):
    # add self-loops (GCNConv default add_self_loops=True)
    loop = jnp.arange(N, dtype=edge_index.dtype)
    src = jnp.concatenate([edge_index[0], loop])
    dst = jnp.concatenate([edge_index[1], loop])
    # symmetric normalization: deg^-1/2[src] * deg^-1/2[dst]
    deg = jnp.zeros((N,), dtype=x.dtype).at[dst].add(1.0)
    dinv = jnp.where(deg > 0, 1.0 / jnp.sqrt(deg), 0.0)
    norm = dinv[src] * dinv[dst]

    h = _gcn_layer(x, src, dst, norm, W1, b1)
    h = jax.nn.relu(h)
    # dropout is identity in eval mode
    h = _gcn_layer(h, src, dst, norm, W2, b2)
    h = jax.nn.relu(h)
    h = _gcn_layer(h, src, dst, norm, W3, b3)
    h = jax.nn.relu(h)
    out = h @ Wl + bl
    return out

if __name__ == "__main__":
    import jax
    _d = setup_inputs()
    print(jax.jit(kernel)(*tuple(_d.values())))

</pallas_src>

<mosaic_0001>
#map = affine_map<(d0, d1) -> (0, 0)>
#map1 = affine_map<(d0, d1) -> (0, 0, 0)>
module attributes {stable_mosaic.version = 14 : i64} {
  func.func @agg2_kernel(%arg0: i32, %arg1: i32, %arg2: memref<10000x128xf32, #tpu.memory_space<hbm>>, %arg3: memref<10000x128xf32, #tpu.memory_space<hbm>>, %arg4: memref<2560x125xi32, #tpu.memory_space<hbm>>, %arg5: memref<2560x125xi32, #tpu.memory_space<hbm>>, %arg6: memref<640x128xf32, #tpu.memory_space<hbm>>, %arg7: memref<2x10240x128xf32, #tpu.memory_space<hbm>>, %arg8: memref<2x10240x128xf32, #tpu.memory_space<hbm>>, %arg9: memref<80x125xi32, #tpu.memory_space<vmem>>, %arg10: memref<80x125xi32, #tpu.memory_space<vmem>>, %arg11: memref<125x128xf32, #tpu.memory_space<vmem>>, %arg12: memref<10240x128xf32, #tpu.memory_space<vmem_shared>>, %arg13: memref<!tpu.dma_semaphore, #tpu.memory_space<semaphore_mem>>) attributes {dimension_semantics = [#tpu.dimension_semantics<core_parallel>, #tpu.dimension_semantics<subcore_parallel>], iteration_bounds = array<i64: 2, 16>, scalar_prefetch = 0 : i64, scratch_operands = 5 : i64, tpu.core_type = #tpu.core_type<sc_vector_subcore>, window_params = [{transform_indices = #map}, {transform_indices = #map}, {transform_indices = #map}, {transform_indices = #map}, {transform_indices = #map}, {transform_indices = #map1}, {transform_indices = #map1}]} {
    %mul3A = arith.constant 16 : i32
    %mul3A_0 = arith.muli %arg0, %mul3A : i32
    %add3A = arith.addi %mul3A_0, %arg1 : i32
    %mul3A_1 = arith.constant 80 : i32
    %mul3A_2 = arith.muli %add3A, %mul3A_1 : i32
    "tpu.region"() ({
      %run_scoped3A = tpu.sem_alloc : memref<!tpu.dma_semaphore, #tpu.memory_space<semaphore_mem>>
      %dma_start3A = arith.constant 0 : i32
      %dma_start3A_33 = tpu.memref_slice %arg4[%mul3A_2, %dma_start3A] : memref<2560x125xi32, #tpu.memory_space<hbm>> -> memref<80x125xi32, #tpu.memory_space<hbm>>
      %dma_start3A_34 = arith.constant 0 : i32
      %dma_start3A_35 = tpu.memref_slice %arg4[%mul3A_2, %dma_start3A_34] : memref<2560x125xi32, #tpu.memory_space<hbm>> -> memref<80x125xi32, #tpu.memory_space<hbm>>
      tpu.enqueue_dma source(%dma_start3A_35 : memref<80x125xi32, #tpu.memory_space<hbm>>) target(%arg9 : memref<80x125xi32, #tpu.memory_space<vmem>>) target_semaphore(%run_scoped3A : memref<!tpu.dma_semaphore, #tpu.memory_space<semaphore_mem>>)
      %dma_wait3A = arith.constant 0 : i32
      %dma_wait3A_36 = tpu.memref_slice %arg4[%mul3A_2, %dma_wait3A] : memref<2560x125xi32, #tpu.memory_space<hbm>> -> memref<80x125xi32, #tpu.memory_space<hbm>>
      %dma_wait3A_37 = arith.constant 0 : i32
      %dma_wait3A_38 = tpu.memref_slice %arg4[%mul3A_2, %dma_wait3A_37] : memref<2560x125xi32, #tpu.memory_space<hbm>> -> memref<80x125xi32, #tpu.memory_space<hbm>>
      tpu.wait_dma2 semaphore(%run_scoped3A : memref<!tpu.dma_semaphore, #tpu.memory_space<semaphore_mem>>) src(%dma_wait3A_38 : memref<80x125xi32, #tpu.memory_space<hbm>>) dst(%arg9 : memref<80x125xi32, #tpu.memory_space<vmem>>)
      tpu.yield
    }) : () -> ()
    %mul3A_3 = arith.constant 80 : i32
    %mul3A_4 = arith.muli %add3A, %mul3A_3 : i32
    "tpu.region"() ({
      %run_scoped3A = tpu.sem_alloc : memref<!tpu.dma_semaphore, #tpu.memory_space<semaphore_mem>>
      %dma_start3A = arith.constant 0 : i32
      %dma_start3A_33 = tpu.memref_slice %arg5[%mul3A_4, %dma_start3A] : memref<2560x125xi32, #tpu.memory_space<hbm>> -> memref<80x125xi32, #tpu.memory_space<hbm>>
      %dma_start3A_34 = arith.constant 0 : i32
      %dma_start3A_35 = tpu.memref_slice %arg5[%mul3A_4, %dma_start3A_34] : memref<2560x125xi32, #tpu.memory_space<hbm>> -> memref<80x125xi32, #tpu.memory_space<hbm>>
      tpu.enqueue_dma source(%dma_start3A_35 : memref<80x125xi32, #tpu.memory_space<hbm>>) target(%arg10 : memref<80x125xi32, #tpu.memory_space<vmem>>) target_semaphore(%run_scoped3A : memref<!tpu.dma_semaphore, #tpu.memory_space<semaphore_mem>>)
      %dma_wait3A = arith.constant 0 : i32
      %dma_wait3A_36 = tpu.memref_slice %arg5[%mul3A_4, %dma_wait3A] : memref<2560x125xi32, #tpu.memory_space<hbm>> -> memref<80x125xi32, #tpu.memory_space<hbm>>
      %dma_wait3A_37 = arith.constant 0 : i32
      %dma_wait3A_38 = tpu.memref_slice %arg5[%mul3A_4, %dma_wait3A_37] : memref<2560x125xi32, #tpu.memory_space<hbm>> -> memref<80x125xi32, #tpu.memory_space<hbm>>
      tpu.wait_dma2 semaphore(%run_scoped3A : memref<!tpu.dma_semaphore, #tpu.memory_space<semaphore_mem>>) src(%dma_wait3A_38 : memref<80x125xi32, #tpu.memory_space<hbm>>) dst(%arg10 : memref<80x125xi32, #tpu.memory_space<vmem>>)
      tpu.yield
    }) : () -> ()
    %mul3A_5 = arith.constant 640 : i32
    %mul3A_6 = arith.muli %arg1, %mul3A_5 : i32
    "tpu.region"() ({
      %run_scoped3A = tpu.sem_alloc : memref<!tpu.dma_semaphore, #tpu.memory_space<semaphore_mem>>
      %dma_start3A = arith.constant 0 : i32
      %dma_start3A_33 = tpu.memref_slice %arg12[%mul3A_6, %dma_start3A] : memref<10240x128xf32, #tpu.memory_space<vmem_shared>> -> memref<640x128xf32, #tpu.memory_space<vmem_shared>>
      tpu.enqueue_dma source(%arg6 : memref<640x128xf32, #tpu.memory_space<hbm>>) target(%dma_start3A_33 : memref<640x128xf32, #tpu.memory_space<vmem_shared>>) target_semaphore(%run_scoped3A : memref<!tpu.dma_semaphore, #tpu.memory_space<semaphore_mem>>)
      %dma_wait3A = arith.constant 0 : i32
      %dma_wait3A_34 = tpu.memref_slice %arg12[%mul3A_6, %dma_wait3A] : memref<10240x128xf32, #tpu.memory_space<vmem_shared>> -> memref<640x128xf32, #tpu.memory_space<vmem_shared>>
      tpu.wait_dma2 semaphore(%run_scoped3A : memref<!tpu.dma_semaphore, #tpu.memory_space<semaphore_mem>>) src(%arg6 : memref<640x128xf32, #tpu.memory_space<hbm>>) dst(%dma_wait3A_34 : memref<640x128xf32, #tpu.memory_space<vmem_shared>>)
      tpu.yield
    }) : () -> ()
    %barrier3A = arith.constant 0 : index
    tpu.barrier barrier_id(%barrier3A)
    %scan3A = arith.constant 0 : i32
    %scan3A_7 = arith.constant 0 : i32
    %scan3A_8 = arith.constant 80 : i32
    %scan3A_9 = arith.addi %scan3A_7, %scan3A_8 : i32
    %scan3A_10 = arith.constant 1 : i32
    scf.for %scan3A_33 = %scan3A_7 to %scan3A_9 step %scan3A_10  : i32 {
      %dma_start3A = arith.constant 0 : i32
      %dma_start3A_34 = tpu.memref_slice %arg9[%scan3A_33, %dma_start3A] : memref<80x125xi32, #tpu.memory_space<vmem>> -> memref<1x125xi32, #tpu.memory_space<vmem>>
      %dma_start3A_35 = tpu.memref_squeeze %dma_start3A_34 : memref<1x125xi32, #tpu.memory_space<vmem>> -> memref<125xi32, #tpu.memory_space<vmem>>
      %dma_start3A_36 = arith.constant 0 : i32
      %dma_start3A_37 = arith.constant 0 : i32
      %dma_start3A_38 = tpu.memref_slice %arg2[%dma_start3A_36, %dma_start3A_37] : memref<10000x128xf32, #tpu.memory_space<hbm>> -> memref<10000x128xf32, #tpu.memory_space<hbm>>
      tpu.enqueue_indirect_dma source(%dma_start3A_38 : memref<10000x128xf32, #tpu.memory_space<hbm>>) target(%arg11 : memref<125x128xf32, #tpu.memory_space<vmem>>) offsets(%dma_start3A_35 : memref<125xi32, #tpu.memory_space<vmem>>) semaphore(%arg13 : memref<!tpu.dma_semaphore, #tpu.memory_space<semaphore_mem>>)
      %dma_wait3A = arith.constant 0 : i32
      %dma_wait3A_39 = tpu.memref_slice %arg9[%scan3A_33, %dma_wait3A] : memref<80x125xi32, #tpu.memory_space<vmem>> -> memref<1x125xi32, #tpu.memory_space<vmem>>
      %dma_wait3A_40 = tpu.memref_squeeze %dma_wait3A_39 : memref<1x125xi32, #tpu.memory_space<vmem>> -> memref<125xi32, #tpu.memory_space<vmem>>
      %dma_wait3A_41 = arith.constant 0 : i32
      %dma_wait3A_42 = arith.constant 0 : i32
      %dma_wait3A_43 = tpu.memref_slice %arg2[%dma_wait3A_41, %dma_wait3A_42] : memref<10000x128xf32, #tpu.memory_space<hbm>> -> memref<10000x128xf32, #tpu.memory_space<hbm>>
      tpu.wait_indirect_dma semaphore(%arg13 : memref<!tpu.dma_semaphore, #tpu.memory_space<semaphore_mem>>) src(%dma_wait3A_43 : memref<10000x128xf32, #tpu.memory_space<hbm>>) dst(%arg11 : memref<125x128xf32, #tpu.memory_space<vmem>>)
      "tpu.region"() ({
        %run_scoped3A = tpu.sem_alloc : memref<!tpu.dma_semaphore, #tpu.memory_space<semaphore_mem>>
        %dma_start3A_44 = arith.constant 0 : i32
        %dma_start3A_45 = tpu.memref_slice %arg10[%scan3A_33, %dma_start3A_44] : memref<80x125xi32, #tpu.memory_space<vmem>> -> memref<1x125xi32, #tpu.memory_space<vmem>>
        %dma_start3A_46 = tpu.memref_squeeze %dma_start3A_45 : memref<1x125xi32, #tpu.memory_space<vmem>> -> memref<125xi32, #tpu.memory_space<vmem>>
        %dma_start3A_47 = arith.constant 0 : i32
        %dma_start3A_48 = arith.constant 0 : i32
        %dma_start3A_49 = tpu.memref_slice %arg12[%dma_start3A_47, %dma_start3A_48] : memref<10240x128xf32, #tpu.memory_space<vmem_shared>> -> memref<10240x128xf32, #tpu.memory_space<vmem_shared>>
        tpu.enqueue_indirect_dma source(%arg11 : memref<125x128xf32, #tpu.memory_space<vmem>>) target(%dma_start3A_49 : memref<10240x128xf32, #tpu.memory_space<vmem_shared>>) offsets(%dma_start3A_46 : memref<125xi32, #tpu.memory_space<vmem>>) semaphore(%run_scoped3A : memref<!tpu.dma_semaphore, #tpu.memory_space<semaphore_mem>>) {add = true}
        %dma_wait3A_50 = arith.constant 0 : i32
        %dma_wait3A_51 = tpu.memref_slice %arg10[%scan3A_33, %dma_wait3A_50] : memref<80x125xi32, #tpu.memory_space<vmem>> -> memref<1x125xi32, #tpu.memory_space<vmem>>
        %dma_wait3A_52 = tpu.memref_squeeze %dma_wait3A_51 : memref<1x125xi32, #tpu.memory_space<vmem>> -> memref<125xi32, #tpu.memory_space<vmem>>
        %dma_wait3A_53 = arith.constant 0 : i32
        %dma_wait3A_54 = arith.constant 0 : i32
        %dma_wait3A_55 = tpu.memref_slice %arg12[%dma_wait3A_53, %dma_wait3A_54] : memref<10240x128xf32, #tpu.memory_space<vmem_shared>> -> memref<10240x128xf32, #tpu.memory_space<vmem_shared>>
        tpu.wait_indirect_dma semaphore(%run_scoped3A : memref<!tpu.dma_semaphore, #tpu.memory_space<semaphore_mem>>) src(%arg11 : memref<125x128xf32, #tpu.memory_space<vmem>>) dst(%dma_wait3A_55 : memref<10240x128xf32, #tpu.memory_space<vmem_shared>>)
        tpu.yield
      }) : () -> ()
    }
    %scan3A_11 = arith.constant 80 : i32
    %barrier3A_12 = arith.constant 0 : index
    tpu.barrier barrier_id(%barrier3A_12)
    %mul3A_13 = arith.constant 640 : i32
    %mul3A_14 = arith.muli %arg1, %mul3A_13 : i32
    %mul3A_15 = arith.constant 640 : i32
    %mul3A_16 = arith.muli %arg1, %mul3A_15 : i32
    "tpu.region"() ({
      %run_scoped3A = tpu.sem_alloc : memref<!tpu.dma_semaphore, #tpu.memory_space<semaphore_mem>>
      %dma_start3A = arith.constant 0 : i32
      %dma_start3A_33 = tpu.memref_slice %arg7[%arg0, %mul3A_16, %dma_start3A] : memref<2x10240x128xf32, #tpu.memory_space<hbm>> -> memref<1x640x128xf32, #tpu.memory_space<hbm>>
      %dma_start3A_34 = tpu.memref_squeeze %dma_start3A_33 : memref<1x640x128xf32, #tpu.memory_space<hbm>> -> memref<640x128xf32, #tpu.memory_space<hbm>>
      %dma_start3A_35 = arith.constant 0 : i32
      %dma_start3A_36 = tpu.memref_slice %arg12[%mul3A_14, %dma_start3A_35] : memref<10240x128xf32, #tpu.memory_space<vmem_shared>> -> memref<640x128xf32, #tpu.memory_space<vmem_shared>>
      tpu.enqueue_dma source(%dma_start3A_36 : memref<640x128xf32, #tpu.memory_space<vmem_shared>>) target(%dma_start3A_34 : memref<640x128xf32, #tpu.memory_space<hbm>>) target_semaphore(%run_scoped3A : memref<!tpu.dma_semaphore, #tpu.memory_space<semaphore_mem>>)
      %dma_wait3A = arith.constant 0 : i32
      %dma_wait3A_37 = tpu.memref_slice %arg7[%arg0, %mul3A_16, %dma_wait3A] : memref<2x10240x128xf32, #tpu.memory_space<hbm>> -> memref<1x640x128xf32, #tpu.memory_space<hbm>>
      %dma_wait3A_38 = tpu.memref_squeeze %dma_wait3A_37 : memref<1x640x128xf32, #tpu.memory_space<hbm>> -> memref<640x128xf32, #tpu.memory_space<hbm>>
      %dma_wait3A_39 = arith.constant 0 : i32
      %dma_wait3A_40 = tpu.memref_slice %arg12[%mul3A_14, %dma_wait3A_39] : memref<10240x128xf32, #tpu.memory_space<vmem_shared>> -> memref<640x128xf32, #tpu.memory_space<vmem_shared>>
      tpu.wait_dma2 semaphore(%run_scoped3A : memref<!tpu.dma_semaphore, #tpu.memory_space<semaphore_mem>>) src(%dma_wait3A_40 : memref<640x128xf32, #tpu.memory_space<vmem_shared>>) dst(%dma_wait3A_38 : memref<640x128xf32, #tpu.memory_space<hbm>>)
      tpu.yield
    }) : () -> ()
    %barrier3A_17 = arith.constant 0 : index
    tpu.barrier barrier_id(%barrier3A_17)
    %mul3A_18 = arith.constant 640 : i32
    %mul3A_19 = arith.muli %arg1, %mul3A_18 : i32
    "tpu.region"() ({
      %run_scoped3A = tpu.sem_alloc : memref<!tpu.dma_semaphore, #tpu.memory_space<semaphore_mem>>
      %dma_start3A = arith.constant 0 : i32
      %dma_start3A_33 = tpu.memref_slice %arg12[%mul3A_19, %dma_start3A] : memref<10240x128xf32, #tpu.memory_space<vmem_shared>> -> memref<640x128xf32, #tpu.memory_space<vmem_shared>>
      tpu.enqueue_dma source(%arg6 : memref<640x128xf32, #tpu.memory_space<hbm>>) target(%dma_start3A_33 : memref<640x128xf32, #tpu.memory_space<vmem_shared>>) target_semaphore(%run_scoped3A : memref<!tpu.dma_semaphore, #tpu.memory_space<semaphore_mem>>)
      %dma_wait3A = arith.constant 0 : i32
      %dma_wait3A_34 = tpu.memref_slice %arg12[%mul3A_19, %dma_wait3A] : memref<10240x128xf32, #tpu.memory_space<vmem_shared>> -> memref<640x128xf32, #tpu.memory_space<vmem_shared>>
      tpu.wait_dma2 semaphore(%run_scoped3A : memref<!tpu.dma_semaphore, #tpu.memory_space<semaphore_mem>>) src(%arg6 : memref<640x128xf32, #tpu.memory_space<hbm>>) dst(%dma_wait3A_34 : memref<640x128xf32, #tpu.memory_space<vmem_shared>>)
      tpu.yield
    }) : () -> ()
    %barrier3A_20 = arith.constant 0 : index
    tpu.barrier barrier_id(%barrier3A_20)
    %scan3A_21 = arith.constant 0 : i32
    %scan3A_22 = arith.constant 0 : i32
    %scan3A_23 = arith.constant 80 : i32
    %scan3A_24 = arith.addi %scan3A_22, %scan3A_23 : i32
    %scan3A_25 = arith.constant 1 : i32
    scf.for %scan3A_33 = %scan3A_22 to %scan3A_24 step %scan3A_25  : i32 {
      %dma_start3A = arith.constant 0 : i32
      %dma_start3A_34 = tpu.memref_slice %arg9[%scan3A_33, %dma_start3A] : memref<80x125xi32, #tpu.memory_space<vmem>> -> memref<1x125xi32, #tpu.memory_space<vmem>>
      %dma_start3A_35 = tpu.memref_squeeze %dma_start3A_34 : memref<1x125xi32, #tpu.memory_space<vmem>> -> memref<125xi32, #tpu.memory_space<vmem>>
      %dma_start3A_36 = arith.constant 0 : i32
      %dma_start3A_37 = arith.constant 0 : i32
      %dma_start3A_38 = tpu.memref_slice %arg3[%dma_start3A_36, %dma_start3A_37] : memref<10000x128xf32, #tpu.memory_space<hbm>> -> memref<10000x128xf32, #tpu.memory_space<hbm>>
      tpu.enqueue_indirect_dma source(%dma_start3A_38 : memref<10000x128xf32, #tpu.memory_space<hbm>>) target(%arg11 : memref<125x128xf32, #tpu.memory_space<vmem>>) offsets(%dma_start3A_35 : memref<125xi32, #tpu.memory_space<vmem>>) semaphore(%arg13 : memref<!tpu.dma_semaphore, #tpu.memory_space<semaphore_mem>>)
      %dma_wait3A = arith.constant 0 : i32
      %dma_wait3A_39 = tpu.memref_slice %arg9[%scan3A_33, %dma_wait3A] : memref<80x125xi32, #tpu.memory_space<vmem>> -> memref<1x125xi32, #tpu.memory_space<vmem>>
      %dma_wait3A_40 = tpu.memref_squeeze %dma_wait3A_39 : memref<1x125xi32, #tpu.memory_space<vmem>> -> memref<125xi32, #tpu.memory_space<vmem>>
      %dma_wait3A_41 = arith.constant 0 : i32
      %dma_wait3A_42 = arith.constant 0 : i32
      %dma_wait3A_43 = tpu.memref_slice %arg3[%dma_wait3A_41, %dma_wait3A_42] : memref<10000x128xf32, #tpu.memory_space<hbm>> -> memref<10000x128xf32, #tpu.memory_space<hbm>>
      tpu.wait_indirect_dma semaphore(%arg13 : memref<!tpu.dma_semaphore, #tpu.memory_space<semaphore_mem>>) src(%dma_wait3A_43 : memref<10000x128xf32, #tpu.memory_space<hbm>>) dst(%arg11 : memref<125x128xf32, #tpu.memory_space<vmem>>)
      "tpu.region"() ({
        %run_scoped3A = tpu.sem_alloc : memref<!tpu.dma_semaphore, #tpu.memory_space<semaphore_mem>>
        %dma_start3A_44 = arith.constant 0 : i32
        %dma_start3A_45 = tpu.memref_slice %arg10[%scan3A_33, %dma_start3A_44] : memref<80x125xi32, #tpu.memory_space<vmem>> -> memref<1x125xi32, #tpu.memory_space<vmem>>
        %dma_start3A_46 = tpu.memref_squeeze %dma_start3A_45 : memref<1x125xi32, #tpu.memory_space<vmem>> -> memref<125xi32, #tpu.memory_space<vmem>>
        %dma_start3A_47 = arith.constant 0 : i32
        %dma_start3A_48 = arith.constant 0 : i32
        %dma_start3A_49 = tpu.memref_slice %arg12[%dma_start3A_47, %dma_start3A_48] : memref<10240x128xf32, #tpu.memory_space<vmem_shared>> -> memref<10240x128xf32, #tpu.memory_space<vmem_shared>>
        tpu.enqueue_indirect_dma source(%arg11 : memref<125x128xf32, #tpu.memory_space<vmem>>) target(%dma_start3A_49 : memref<10240x128xf32, #tpu.memory_space<vmem_shared>>) offsets(%dma_start3A_46 : memref<125xi32, #tpu.memory_space<vmem>>) semaphore(%run_scoped3A : memref<!tpu.dma_semaphore, #tpu.memory_space<semaphore_mem>>) {add = true}
        %dma_wait3A_50 = arith.constant 0 : i32
        %dma_wait3A_51 = tpu.memref_slice %arg10[%scan3A_33, %dma_wait3A_50] : memref<80x125xi32, #tpu.memory_space<vmem>> -> memref<1x125xi32, #tpu.memory_space<vmem>>
        %dma_wait3A_52 = tpu.memref_squeeze %dma_wait3A_51 : memref<1x125xi32, #tpu.memory_space<vmem>> -> memref<125xi32, #tpu.memory_space<vmem>>
        %dma_wait3A_53 = arith.constant 0 : i32
        %dma_wait3A_54 = arith.constant 0 : i32
        %dma_wait3A_55 = tpu.memref_slice %arg12[%dma_wait3A_53, %dma_wait3A_54] : memref<10240x128xf32, #tpu.memory_space<vmem_shared>> -> memref<10240x128xf32, #tpu.memory_space<vmem_shared>>
        tpu.wait_indirect_dma semaphore(%run_scoped3A : memref<!tpu.dma_semaphore, #tpu.memory_space<semaphore_mem>>) src(%arg11 : memref<125x128xf32, #tpu.memory_space<vmem>>) dst(%dma_wait3A_55 : memref<10240x128xf32, #tpu.memory_space<vmem_shared>>)
        tpu.yield
      }) : () -> ()
    }
    %scan3A_26 = arith.constant 80 : i32
    %barrier3A_27 = arith.constant 0 : index
    tpu.barrier barrier_id(%barrier3A_27)
    %mul3A_28 = arith.constant 640 : i32
    %mul3A_29 = arith.muli %arg1, %mul3A_28 : i32
    %mul3A_30 = arith.constant 640 : i32
    %mul3A_31 = arith.muli %arg1, %mul3A_30 : i32
    "tpu.region"() ({
      %run_scoped3A = tpu.sem_alloc : memref<!tpu.dma_semaphore, #tpu.memory_space<semaphore_mem>>
      %dma_start3A = arith.constant 0 : i32
      %dma_start3A_33 = tpu.memref_slice %arg8[%arg0, %mul3A_31, %dma_start3A] : memref<2x10240x128xf32, #tpu.memory_space<hbm>> -> memref<1x640x128xf32, #tpu.memory_space<hbm>>
      %dma_start3A_34 = tpu.memref_squeeze %dma_start3A_33 : memref<1x640x128xf32, #tpu.memory_space<hbm>> -> memref<640x128xf32, #tpu.memory_space<hbm>>
      %dma_start3A_35 = arith.constant 0 : i32
      %dma_start3A_36 = tpu.memref_slice %arg12[%mul3A_29, %dma_start3A_35] : memref<10240x128xf32, #tpu.memory_space<vmem_shared>> -> memref<640x128xf32, #tpu.memory_space<vmem_shared>>
      tpu.enqueue_dma source(%dma_start3A_36 : memref<640x128xf32, #tpu.memory_space<vmem_shared>>) target(%dma_start3A_34 : memref<640x128xf32, #tpu.memory_space<hbm>>) target_semaphore(%run_scoped3A : memref<!tpu.dma_semaphore, #tpu.memory_space<semaphore_mem>>)
      %dma_wait3A = arith.constant 0 : i32
      %dma_wait3A_37 = tpu.memref_slice %arg8[%arg0, %mul3A_31, %dma_wait3A] : memref<2x10240x128xf32, #tpu.memory_space<hbm>> -> memref<1x640x128xf32, #tpu.memory_space<hbm>>
      %dma_wait3A_38 = tpu.memref_squeeze %dma_wait3A_37 : memref<1x640x128xf32, #tpu.memory_space<hbm>> -> memref<640x128xf32, #tpu.memory_space<hbm>>
      %dma_wait3A_39 = arith.constant 0 : i32
      %dma_wait3A_40 = tpu.memref_slice %arg12[%mul3A_29, %dma_wait3A_39] : memref<10240x128xf32, #tpu.memory_space<vmem_shared>> -> memref<640x128xf32, #tpu.memory_space<vmem_shared>>
      tpu.wait_dma2 semaphore(%run_scoped3A : memref<!tpu.dma_semaphore, #tpu.memory_space<semaphore_mem>>) src(%dma_wait3A_40 : memref<640x128xf32, #tpu.memory_space<vmem_shared>>) dst(%dma_wait3A_38 : memref<640x128xf32, #tpu.memory_space<hbm>>)
      tpu.yield
    }) : () -> ()
    %barrier3A_32 = arith.constant 0 : index
    tpu.barrier barrier_id(%barrier3A_32)
    return
  }
}

#map = affine_map<(d0, d1) -> (0, 0)>
#map1 = affine_map<(d0, d1) -> (0, 0, 0)>
module attributes {stable_mosaic.version = 14 : i64} {
  func.func @deg_kernel(%arg0: i32, %arg1: i32, %arg2: memref<2560x125xi32, #tpu.memory_space<hbm>>, %arg3: memref<125x128xf32, #tpu.memory_space<hbm>>, %arg4: memref<640x128xf32, #tpu.memory_space<hbm>>, %arg5: memref<2x10240x128xf32, #tpu.memory_space<hbm>>, %arg6: memref<80x125xi32, #tpu.memory_space<vmem>>, %arg7: memref<125x128xf32, #tpu.memory_space<vmem>>, %arg8: memref<10240x128xf32, #tpu.memory_space<vmem_shared>>) attributes {dimension_semantics = [#tpu.dimension_semantics<core_parallel>, #tpu.dimension_semantics<subcore_parallel>], iteration_bounds = array<i64: 2, 16>, scalar_prefetch = 0 : i64, scratch_operands = 3 : i64, tpu.core_type = #tpu.core_type<sc_vector_subcore>, window_params = [{transform_indices = #map}, {transform_indices = #map}, {transform_indices = #map}, {transform_indices = #map1}]} {
    %mul3A = arith.constant 16 : i32
    %mul3A_0 = arith.muli %arg0, %mul3A : i32
    %add3A = arith.addi %mul3A_0, %arg1 : i32
    %mul3A_1 = arith.constant 640 : i32
    %mul3A_2 = arith.muli %arg1, %mul3A_1 : i32
    "tpu.region"() ({
      %run_scoped3A = tpu.sem_alloc : memref<!tpu.dma_semaphore, #tpu.memory_space<semaphore_mem>>
      %dma_start3A = arith.constant 0 : i32
      %dma_start3A_15 = tpu.memref_slice %arg8[%mul3A_2, %dma_start3A] : memref<10240x128xf32, #tpu.memory_space<vmem_shared>> -> memref<640x128xf32, #tpu.memory_space<vmem_shared>>
      tpu.enqueue_dma source(%arg4 : memref<640x128xf32, #tpu.memory_space<hbm>>) target(%dma_start3A_15 : memref<640x128xf32, #tpu.memory_space<vmem_shared>>) target_semaphore(%run_scoped3A : memref<!tpu.dma_semaphore, #tpu.memory_space<semaphore_mem>>)
      %dma_wait3A = arith.constant 0 : i32
      %dma_wait3A_16 = tpu.memref_slice %arg8[%mul3A_2, %dma_wait3A] : memref<10240x128xf32, #tpu.memory_space<vmem_shared>> -> memref<640x128xf32, #tpu.memory_space<vmem_shared>>
      tpu.wait_dma2 semaphore(%run_scoped3A : memref<!tpu.dma_semaphore, #tpu.memory_space<semaphore_mem>>) src(%arg4 : memref<640x128xf32, #tpu.memory_space<hbm>>) dst(%dma_wait3A_16 : memref<640x128xf32, #tpu.memory_space<vmem_shared>>)
      tpu.yield
    }) : () -> ()
    %mul3A_3 = arith.constant 80 : i32
    %mul3A_4 = arith.muli %add3A, %mul3A_3 : i32
    "tpu.region"() ({
      %run_scoped3A = tpu.sem_alloc : memref<!tpu.dma_semaphore, #tpu.memory_space<semaphore_mem>>
      %dma_start3A = arith.constant 0 : i32
      %dma_start3A_15 = tpu.memref_slice %arg2[%mul3A_4, %dma_start3A] : memref<2560x125xi32, #tpu.memory_space<hbm>> -> memref<80x125xi32, #tpu.memory_space<hbm>>
      %dma_start3A_16 = arith.constant 0 : i32
      %dma_start3A_17 = tpu.memref_slice %arg2[%mul3A_4, %dma_start3A_16] : memref<2560x125xi32, #tpu.memory_space<hbm>> -> memref<80x125xi32, #tpu.memory_space<hbm>>
      tpu.enqueue_dma source(%dma_start3A_17 : memref<80x125xi32, #tpu.memory_space<hbm>>) target(%arg6 : memref<80x125xi32, #tpu.memory_space<vmem>>) target_semaphore(%run_scoped3A : memref<!tpu.dma_semaphore, #tpu.memory_space<semaphore_mem>>)
      %dma_wait3A = arith.constant 0 : i32
      %dma_wait3A_18 = tpu.memref_slice %arg2[%mul3A_4, %dma_wait3A] : memref<2560x125xi32, #tpu.memory_space<hbm>> -> memref<80x125xi32, #tpu.memory_space<hbm>>
      %dma_wait3A_19 = arith.constant 0 : i32
      %dma_wait3A_20 = tpu.memref_slice %arg2[%mul3A_4, %dma_wait3A_19] : memref<2560x125xi32, #tpu.memory_space<hbm>> -> memref<80x125xi32, #tpu.memory_space<hbm>>
      tpu.wait_dma2 semaphore(%run_scoped3A : memref<!tpu.dma_semaphore, #tpu.memory_space<semaphore_mem>>) src(%dma_wait3A_20 : memref<80x125xi32, #tpu.memory_space<hbm>>) dst(%arg6 : memref<80x125xi32, #tpu.memory_space<vmem>>)
      tpu.yield
    }) : () -> ()
    "tpu.region"() ({
      %run_scoped3A = tpu.sem_alloc : memref<!tpu.dma_semaphore, #tpu.memory_space<semaphore_mem>>
      tpu.enqueue_dma source(%arg3 : memref<125x128xf32, #tpu.memory_space<hbm>>) target(%arg7 : memref<125x128xf32, #tpu.memory_space<vmem>>) target_semaphore(%run_scoped3A : memref<!tpu.dma_semaphore, #tpu.memory_space<semaphore_mem>>)
      tpu.wait_dma2 semaphore(%run_scoped3A : memref<!tpu.dma_semaphore, #tpu.memory_space<semaphore_mem>>) src(%arg3 : memref<125x128xf32, #tpu.memory_space<hbm>>) dst(%arg7 : memref<125x128xf32, #tpu.memory_space<vmem>>)
      tpu.yield
    }) : () -> ()
    %barrier3A = arith.constant 0 : index
    tpu.barrier barrier_id(%barrier3A)
    %scan3A = arith.constant 0 : i32
    %scan3A_5 = arith.constant 0 : i32
    %scan3A_6 = arith.constant 80 : i32
    %scan3A_7 = arith.addi %scan3A_5, %scan3A_6 : i32
    %scan3A_8 = arith.constant 1 : i32
    scf.for %scan3A_15 = %scan3A_5 to %scan3A_7 step %scan3A_8  : i32 {
      "tpu.region"() ({
        %run_scoped3A = tpu.sem_alloc : memref<!tpu.dma_semaphore, #tpu.memory_space<semaphore_mem>>
        %dma_start3A = arith.constant 0 : i32
        %dma_start3A_16 = tpu.memref_slice %arg6[%scan3A_15, %dma_start3A] : memref<80x125xi32, #tpu.memory_space<vmem>> -> memref<1x125xi32, #tpu.memory_space<vmem>>
        %dma_start3A_17 = tpu.memref_squeeze %dma_start3A_16 : memref<1x125xi32, #tpu.memory_space<vmem>> -> memref<125xi32, #tpu.memory_space<vmem>>
        %dma_start3A_18 = arith.constant 0 : i32
        %dma_start3A_19 = arith.constant 0 : i32
        %dma_start3A_20 = tpu.memref_slice %arg8[%dma_start3A_18, %dma_start3A_19] : memref<10240x128xf32, #tpu.memory_space<vmem_shared>> -> memref<10240x128xf32, #tpu.memory_space<vmem_shared>>
        tpu.enqueue_indirect_dma source(%arg7 : memref<125x128xf32, #tpu.memory_space<vmem>>) target(%dma_start3A_20 : memref<10240x128xf32, #tpu.memory_space<vmem_shared>>) offsets(%dma_start3A_17 : memref<125xi32, #tpu.memory_space<vmem>>) semaphore(%run_scoped3A : memref<!tpu.dma_semaphore, #tpu.memory_space<semaphore_mem>>) {add = true}
        %dma_wait3A = arith.constant 0 : i32
        %dma_wait3A_21 = tpu.memref_slice %arg6[%scan3A_15, %dma_wait3A] : memref<80x125xi32, #tpu.memory_space<vmem>> -> memref<1x125xi32, #tpu.memory_space<vmem>>
        %dma_wait3A_22 = tpu.memref_squeeze %dma_wait3A_21 : memref<1x125xi32, #tpu.memory_space<vmem>> -> memref<125xi32, #tpu.memory_space<vmem>>
        %dma_wait3A_23 = arith.constant 0 : i32
        %dma_wait3A_24 = arith.constant 0 : i32
        %dma_wait3A_25 = tpu.memref_slice %arg8[%dma_wait3A_23, %dma_wait3A_24] : memref<10240x128xf32, #tpu.memory_space<vmem_shared>> -> memref<10240x128xf32, #tpu.memory_space<vmem_shared>>
        tpu.wait_indirect_dma semaphore(%run_scoped3A : memref<!tpu.dma_semaphore, #tpu.memory_space<semaphore_mem>>) src(%arg7 : memref<125x128xf32, #tpu.memory_space<vmem>>) dst(%dma_wait3A_25 : memref<10240x128xf32, #tpu.memory_space<vmem_shared>>)
        tpu.yield
      }) : () -> ()
    }
    %scan3A_9 = arith.constant 80 : i32
    %barrier3A_10 = arith.constant 0 : index
    tpu.barrier barrier_id(%barrier3A_10)
    %mul3A_11 = arith.constant 640 : i32
    %mul3A_12 = arith.muli %arg1, %mul3A_11 : i32
    %mul3A_13 = arith.constant 640 : i32
    %mul3A_14 = arith.muli %arg1, %mul3A_13 : i32
    "tpu.region"() ({
      %run_scoped3A = tpu.sem_alloc : memref<!tpu.dma_semaphore, #tpu.memory_space<semaphore_mem>>
      %dma_start3A = arith.constant 0 : i32
      %dma_start3A_15 = tpu.memref_slice %arg5[%arg0, %mul3A_14, %dma_start3A] : memref<2x10240x128xf32, #tpu.memory_space<hbm>> -> memref<1x640x128xf32, #tpu.memory_space<hbm>>
      %dma_start3A_16 = tpu.memref_squeeze %dma_start3A_15 : memref<1x640x128xf32, #tpu.memory_space<hbm>> -> memref<640x128xf32, #tpu.memory_space<hbm>>
      %dma_start3A_17 = arith.constant 0 : i32
      %dma_start3A_18 = tpu.memref_slice %arg8[%mul3A_12, %dma_start3A_17] : memref<10240x128xf32, #tpu.memory_space<vmem_shared>> -> memref<640x128xf32, #tpu.memory_space<vmem_shared>>
      tpu.enqueue_dma source(%dma_start3A_18 : memref<640x128xf32, #tpu.memory_space<vmem_shared>>) target(%dma_start3A_16 : memref<640x128xf32, #tpu.memory_space<hbm>>) target_semaphore(%run_scoped3A : memref<!tpu.dma_semaphore, #tpu.memory_space<semaphore_mem>>)
      %dma_wait3A = arith.constant 0 : i32
      %dma_wait3A_19 = tpu.memref_slice %arg5[%arg0, %mul3A_14, %dma_wait3A] : memref<2x10240x128xf32, #tpu.memory_space<hbm>> -> memref<1x640x128xf32, #tpu.memory_space<hbm>>
      %dma_wait3A_20 = tpu.memref_squeeze %dma_wait3A_19 : memref<1x640x128xf32, #tpu.memory_space<hbm>> -> memref<640x128xf32, #tpu.memory_space<hbm>>
      %dma_wait3A_21 = arith.constant 0 : i32
      %dma_wait3A_22 = tpu.memref_slice %arg8[%mul3A_12, %dma_wait3A_21] : memref<10240x128xf32, #tpu.memory_space<vmem_shared>> -> memref<640x128xf32, #tpu.memory_space<vmem_shared>>
      tpu.wait_dma2 semaphore(%run_scoped3A : memref<!tpu.dma_semaphore, #tpu.memory_space<semaphore_mem>>) src(%dma_wait3A_22 : memref<640x128xf32, #tpu.memory_space<vmem_shared>>) dst(%dma_wait3A_20 : memref<640x128xf32, #tpu.memory_space<hbm>>)
      tpu.yield
    }) : () -> ()
    return
  }
}

#map = affine_map<(d0, d1) -> (0, 0)>
#map1 = affine_map<(d0, d1) -> (0, 0, 0)>
module attributes {stable_mosaic.version = 14 : i64} {
  func.func @agg_kernel(%arg0: i32, %arg1: i32, %arg2: memref<10000x128xf32, #tpu.memory_space<hbm>>, %arg3: memref<2560x125xi32, #tpu.memory_space<hbm>>, %arg4: memref<2560x125xi32, #tpu.memory_space<hbm>>, %arg5: memref<640x128xf32, #tpu.memory_space<hbm>>, %arg6: memref<2x10240x128xf32, #tpu.memory_space<hbm>>, %arg7: memref<80x125xi32, #tpu.memory_space<vmem>>, %arg8: memref<80x125xi32, #tpu.memory_space<vmem>>, %arg9: memref<125x128xf32, #tpu.memory_space<vmem>>, %arg10: memref<10240x128xf32, #tpu.memory_space<vmem_shared>>, %arg11: memref<!tpu.dma_semaphore, #tpu.memory_space<semaphore_mem>>) attributes {dimension_semantics = [#tpu.dimension_semantics<core_parallel>, #tpu.dimension_semantics<subcore_parallel>], iteration_bounds = array<i64: 2, 16>, scalar_prefetch = 0 : i64, scratch_operands = 5 : i64, tpu.core_type = #tpu.core_type<sc_vector_subcore>, window_params = [{transform_indices = #map}, {transform_indices = #map}, {transform_indices = #map}, {transform_indices = #map}, {transform_indices = #map1}]} {
    %mul3A = arith.constant 16 : i32
    %mul3A_0 = arith.muli %arg0, %mul3A : i32
    %add3A = arith.addi %mul3A_0, %arg1 : i32
    %mul3A_1 = arith.constant 80 : i32
    %mul3A_2 = arith.muli %add3A, %mul3A_1 : i32
    "tpu.region"() ({
      %run_scoped3A = tpu.sem_alloc : memref<!tpu.dma_semaphore, #tpu.memory_space<semaphore_mem>>
      %dma_start3A = arith.constant 0 : i32
      %dma_start3A_17 = tpu.memref_slice %arg3[%mul3A_2, %dma_start3A] : memref<2560x125xi32, #tpu.memory_space<hbm>> -> memref<80x125xi32, #tpu.memory_space<hbm>>
      %dma_start3A_18 = arith.constant 0 : i32
      %dma_start3A_19 = tpu.memref_slice %arg3[%mul3A_2, %dma_start3A_18] : memref<2560x125xi32, #tpu.memory_space<hbm>> -> memref<80x125xi32, #tpu.memory_space<hbm>>
      tpu.enqueue_dma source(%dma_start3A_19 : memref<80x125xi32, #tpu.memory_space<hbm>>) target(%arg7 : memref<80x125xi32, #tpu.memory_space<vmem>>) target_semaphore(%run_scoped3A : memref<!tpu.dma_semaphore, #tpu.memory_space<semaphore_mem>>)
      %dma_wait3A = arith.constant 0 : i32
      %dma_wait3A_20 = tpu.memref_slice %arg3[%mul3A_2, %dma_wait3A] : memref<2560x125xi32, #tpu.memory_space<hbm>> -> memref<80x125xi32, #tpu.memory_space<hbm>>
      %dma_wait3A_21 = arith.constant 0 : i32
      %dma_wait3A_22 = tpu.memref_slice %arg3[%mul3A_2, %dma_wait3A_21] : memref<2560x125xi32, #tpu.memory_space<hbm>> -> memref<80x125xi32, #tpu.memory_space<hbm>>
      tpu.wait_dma2 semaphore(%run_scoped3A : memref<!tpu.dma_semaphore, #tpu.memory_space<semaphore_mem>>) src(%dma_wait3A_22 : memref<80x125xi32, #tpu.memory_space<hbm>>) dst(%arg7 : memref<80x125xi32, #tpu.memory_space<vmem>>)
      tpu.yield
    }) : () -> ()
    %mul3A_3 = arith.constant 80 : i32
    %mul3A_4 = arith.muli %add3A, %mul3A_3 : i32
    "tpu.region"() ({
      %run_scoped3A = tpu.sem_alloc : memref<!tpu.dma_semaphore, #tpu.memory_space<semaphore_mem>>
      %dma_start3A = arith.constant 0 : i32
      %dma_start3A_17 = tpu.memref_slice %arg4[%mul3A_4, %dma_start3A] : memref<2560x125xi32, #tpu.memory_space<hbm>> -> memref<80x125xi32, #tpu.memory_space<hbm>>
      %dma_start3A_18 = arith.constant 0 : i32
      %dma_start3A_19 = tpu.memref_slice %arg4[%mul3A_4, %dma_start3A_18] : memref<2560x125xi32, #tpu.memory_space<hbm>> -> memref<80x125xi32, #tpu.memory_space<hbm>>
      tpu.enqueue_dma source(%dma_start3A_19 : memref<80x125xi32, #tpu.memory_space<hbm>>) target(%arg8 : memref<80x125xi32, #tpu.memory_space<vmem>>) target_semaphore(%run_scoped3A : memref<!tpu.dma_semaphore, #tpu.memory_space<semaphore_mem>>)
      %dma_wait3A = arith.constant 0 : i32
      %dma_wait3A_20 = tpu.memref_slice %arg4[%mul3A_4, %dma_wait3A] : memref<2560x125xi32, #tpu.memory_space<hbm>> -> memref<80x125xi32, #tpu.memory_space<hbm>>
      %dma_wait3A_21 = arith.constant 0 : i32
      %dma_wait3A_22 = tpu.memref_slice %arg4[%mul3A_4, %dma_wait3A_21] : memref<2560x125xi32, #tpu.memory_space<hbm>> -> memref<80x125xi32, #tpu.memory_space<hbm>>
      tpu.wait_dma2 semaphore(%run_scoped3A : memref<!tpu.dma_semaphore, #tpu.memory_space<semaphore_mem>>) src(%dma_wait3A_22 : memref<80x125xi32, #tpu.memory_space<hbm>>) dst(%arg8 : memref<80x125xi32, #tpu.memory_space<vmem>>)
      tpu.yield
    }) : () -> ()
    %mul3A_5 = arith.constant 640 : i32
    %mul3A_6 = arith.muli %arg1, %mul3A_5 : i32
    "tpu.region"() ({
      %run_scoped3A = tpu.sem_alloc : memref<!tpu.dma_semaphore, #tpu.memory_space<semaphore_mem>>
      %dma_start3A = arith.constant 0 : i32
      %dma_start3A_17 = tpu.memref_slice %arg10[%mul3A_6, %dma_start3A] : memref<10240x128xf32, #tpu.memory_space<vmem_shared>> -> memref<640x128xf32, #tpu.memory_space<vmem_shared>>
      tpu.enqueue_dma source(%arg5 : memref<640x128xf32, #tpu.memory_space<hbm>>) target(%dma_start3A_17 : memref<640x128xf32, #tpu.memory_space<vmem_shared>>) target_semaphore(%run_scoped3A : memref<!tpu.dma_semaphore, #tpu.memory_space<semaphore_mem>>)
      %dma_wait3A = arith.constant 0 : i32
      %dma_wait3A_18 = tpu.memref_slice %arg10[%mul3A_6, %dma_wait3A] : memref<10240x128xf32, #tpu.memory_space<vmem_shared>> -> memref<640x128xf32, #tpu.memory_space<vmem_shared>>
      tpu.wait_dma2 semaphore(%run_scoped3A : memref<!tpu.dma_semaphore, #tpu.memory_space<semaphore_mem>>) src(%arg5 : memref<640x128xf32, #tpu.memory_space<hbm>>) dst(%dma_wait3A_18 : memref<640x128xf32, #tpu.memory_space<vmem_shared>>)
      tpu.yield
    }) : () -> ()
    %barrier3A = arith.constant 0 : index
    tpu.barrier barrier_id(%barrier3A)
    %scan3A = arith.constant 0 : i32
    %scan3A_7 = arith.constant 0 : i32
    %scan3A_8 = arith.constant 80 : i32
    %scan3A_9 = arith.addi %scan3A_7, %scan3A_8 : i32
    %scan3A_10 = arith.constant 1 : i32
    scf.for %scan3A_17 = %scan3A_7 to %scan3A_9 step %scan3A_10  : i32 {
      %dma_start3A = arith.constant 0 : i32
      %dma_start3A_18 = tpu.memref_slice %arg7[%scan3A_17, %dma_start3A] : memref<80x125xi32, #tpu.memory_space<vmem>> -> memref<1x125xi32, #tpu.memory_space<vmem>>
      %dma_start3A_19 = tpu.memref_squeeze %dma_start3A_18 : memref<1x125xi32, #tpu.memory_space<vmem>> -> memref<125xi32, #tpu.memory_space<vmem>>
      %dma_start3A_20 = arith.constant 0 : i32
      %dma_start3A_21 = arith.constant 0 : i32
      %dma_start3A_22 = tpu.memref_slice %arg2[%dma_start3A_20, %dma_start3A_21] : memref<10000x128xf32, #tpu.memory_space<hbm>> -> memref<10000x128xf32, #tpu.memory_space<hbm>>
      tpu.enqueue_indirect_dma source(%dma_start3A_22 : memref<10000x128xf32, #tpu.memory_space<hbm>>) target(%arg9 : memref<125x128xf32, #tpu.memory_space<vmem>>) offsets(%dma_start3A_19 : memref<125xi32, #tpu.memory_space<vmem>>) semaphore(%arg11 : memref<!tpu.dma_semaphore, #tpu.memory_space<semaphore_mem>>)
      %dma_wait3A = arith.constant 0 : i32
      %dma_wait3A_23 = tpu.memref_slice %arg7[%scan3A_17, %dma_wait3A] : memref<80x125xi32, #tpu.memory_space<vmem>> -> memref<1x125xi32, #tpu.memory_space<vmem>>
      %dma_wait3A_24 = tpu.memref_squeeze %dma_wait3A_23 : memref<1x125xi32, #tpu.memory_space<vmem>> -> memref<125xi32, #tpu.memory_space<vmem>>
      %dma_wait3A_25 = arith.constant 0 : i32
      %dma_wait3A_26 = arith.constant 0 : i32
      %dma_wait3A_27 = tpu.memref_slice %arg2[%dma_wait3A_25, %dma_wait3A_26] : memref<10000x128xf32, #tpu.memory_space<hbm>> -> memref<10000x128xf32, #tpu.memory_space<hbm>>
      tpu.wait_indirect_dma semaphore(%arg11 : memref<!tpu.dma_semaphore, #tpu.memory_space<semaphore_mem>>) src(%dma_wait3A_27 : memref<10000x128xf32, #tpu.memory_space<hbm>>) dst(%arg9 : memref<125x128xf32, #tpu.memory_space<vmem>>)
      "tpu.region"() ({
        %run_scoped3A = tpu.sem_alloc : memref<!tpu.dma_semaphore, #tpu.memory_space<semaphore_mem>>
        %dma_start3A_28 = arith.constant 0 : i32
        %dma_start3A_29 = tpu.memref_slice %arg8[%scan3A_17, %dma_start3A_28] : memref<80x125xi32, #tpu.memory_space<vmem>> -> memref<1x125xi32, #tpu.memory_space<vmem>>
        %dma_start3A_30 = tpu.memref_squeeze %dma_start3A_29 : memref<1x125xi32, #tpu.memory_space<vmem>> -> memref<125xi32, #tpu.memory_space<vmem>>
        %dma_start3A_31 = arith.constant 0 : i32
        %dma_start3A_32 = arith.constant 0 : i32
        %dma_start3A_33 = tpu.memref_slice %arg10[%dma_start3A_31, %dma_start3A_32] : memref<10240x128xf32, #tpu.memory_space<vmem_shared>> -> memref<10240x128xf32, #tpu.memory_space<vmem_shared>>
        tpu.enqueue_indirect_dma source(%arg9 : memref<125x128xf32, #tpu.memory_space<vmem>>) target(%dma_start3A_33 : memref<10240x128xf32, #tpu.memory_space<vmem_shared>>) offsets(%dma_start3A_30 : memref<125xi32, #tpu.memory_space<vmem>>) semaphore(%run_scoped3A : memref<!tpu.dma_semaphore, #tpu.memory_space<semaphore_mem>>) {add = true}
        %dma_wait3A_34 = arith.constant 0 : i32
        %dma_wait3A_35 = tpu.memref_slice %arg8[%scan3A_17, %dma_wait3A_34] : memref<80x125xi32, #tpu.memory_space<vmem>> -> memref<1x125xi32, #tpu.memory_space<vmem>>
        %dma_wait3A_36 = tpu.memref_squeeze %dma_wait3A_35 : memref<1x125xi32, #tpu.memory_space<vmem>> -> memref<125xi32, #tpu.memory_space<vmem>>
        %dma_wait3A_37 = arith.constant 0 : i32
        %dma_wait3A_38 = arith.constant 0 : i32
        %dma_wait3A_39 = tpu.memref_slice %arg10[%dma_wait3A_37, %dma_wait3A_38] : memref<10240x128xf32, #tpu.memory_space<vmem_shared>> -> memref<10240x128xf32, #tpu.memory_space<vmem_shared>>
        tpu.wait_indirect_dma semaphore(%run_scoped3A : memref<!tpu.dma_semaphore, #tpu.memory_space<semaphore_mem>>) src(%arg9 : memref<125x128xf32, #tpu.memory_space<vmem>>) dst(%dma_wait3A_39 : memref<10240x128xf32, #tpu.memory_space<vmem_shared>>)
        tpu.yield
      }) : () -> ()
    }
    %scan3A_11 = arith.constant 80 : i32
    %barrier3A_12 = arith.constant 0 : index
    tpu.barrier barrier_id(%barrier3A_12)
    %mul3A_13 = arith.constant 640 : i32
    %mul3A_14 = arith.muli %arg1, %mul3A_13 : i32
    %mul3A_15 = arith.constant 640 : i32
    %mul3A_16 = arith.muli %arg1, %mul3A_15 : i32
    "tpu.region"() ({
      %run_scoped3A = tpu.sem_alloc : memref<!tpu.dma_semaphore, #tpu.memory_space<semaphore_mem>>
      %dma_start3A = arith.constant 0 : i32
      %dma_start3A_17 = tpu.memref_slice %arg6[%arg0, %mul3A_16, %dma_start3A] : memref<2x10240x128xf32, #tpu.memory_space<hbm>> -> memref<1x640x128xf32, #tpu.memory_space<hbm>>
      %dma_start3A_18 = tpu.memref_squeeze %dma_start3A_17 : memref<1x640x128xf32, #tpu.memory_space<hbm>> -> memref<640x128xf32, #tpu.memory_space<hbm>>
      %dma_start3A_19 = arith.constant 0 : i32
      %dma_start3A_20 = tpu.memref_slice %arg10[%mul3A_14, %dma_start3A_19] : memref<10240x128xf32, #tpu.memory_space<vmem_shared>> -> memref<640x128xf32, #tpu.memory_space<vmem_shared>>
      tpu.enqueue_dma source(%dma_start3A_20 : memref<640x128xf32, #tpu.memory_space<vmem_shared>>) target(%dma_start3A_18 : memref<640x128xf32, #tpu.memory_space<hbm>>) target_semaphore(%run_scoped3A : memref<!tpu.dma_semaphore, #tpu.memory_space<semaphore_mem>>)
      %dma_wait3A = arith.constant 0 : i32
      %dma_wait3A_21 = tpu.memref_slice %arg6[%arg0, %mul3A_16, %dma_wait3A] : memref<2x10240x128xf32, #tpu.memory_space<hbm>> -> memref<1x640x128xf32, #tpu.memory_space<hbm>>
      %dma_wait3A_22 = tpu.memref_squeeze %dma_wait3A_21 : memref<1x640x128xf32, #tpu.memory_space<hbm>> -> memref<640x128xf32, #tpu.memory_space<hbm>>
      %dma_wait3A_23 = arith.constant 0 : i32
      %dma_wait3A_24 = tpu.memref_slice %arg10[%mul3A_14, %dma_wait3A_23] : memref<10240x128xf32, #tpu.memory_space<vmem_shared>> -> memref<640x128xf32, #tpu.memory_space<vmem_shared>>
      tpu.wait_dma2 semaphore(%run_scoped3A : memref<!tpu.dma_semaphore, #tpu.memory_space<semaphore_mem>>) src(%dma_wait3A_24 : memref<640x128xf32, #tpu.memory_space<vmem_shared>>) dst(%dma_wait3A_22 : memref<640x128xf32, #tpu.memory_space<hbm>>)
      tpu.yield
    }) : () -> ()
    return
  }
}

#map = affine_map<(d0, d1) -> (0, 0)>
#map1 = affine_map<(d0, d1) -> (0, 0, 0)>
module attributes {stable_mosaic.version = 14 : i64} {
  func.func @agg_kernel(%arg0: i32, %arg1: i32, %arg2: memref<10000x128xf32, #tpu.memory_space<hbm>>, %arg3: memref<2560x125xi32, #tpu.memory_space<hbm>>, %arg4: memref<2560x125xi32, #tpu.memory_space<hbm>>, %arg5: memref<640x128xf32, #tpu.memory_space<hbm>>, %arg6: memref<2x10240x128xf32, #tpu.memory_space<hbm>>, %arg7: memref<80x125xi32, #tpu.memory_space<vmem>>, %arg8: memref<80x125xi32, #tpu.memory_space<vmem>>, %arg9: memref<125x128xf32, #tpu.memory_space<vmem>>, %arg10: memref<10240x128xf32, #tpu.memory_space<vmem_shared>>, %arg11: memref<!tpu.dma_semaphore, #tpu.memory_space<semaphore_mem>>) attributes {dimension_semantics = [#tpu.dimension_semantics<core_parallel>, #tpu.dimension_semantics<subcore_parallel>], iteration_bounds = array<i64: 2, 16>, scalar_prefetch = 0 : i64, scratch_operands = 5 : i64, tpu.core_type = #tpu.core_type<sc_vector_subcore>, window_params = [{transform_indices = #map}, {transform_indices = #map}, {transform_indices = #map}, {transform_indices = #map}, {transform_indices = #map1}]} {
    %mul3A = arith.constant 16 : i32
    %mul3A_0 = arith.muli %arg0, %mul3A : i32
    %add3A = arith.addi %mul3A_0, %arg1 : i32
    %mul3A_1 = arith.constant 80 : i32
    %mul3A_2 = arith.muli %add3A, %mul3A_1 : i32
    "tpu.region"() ({
      %run_scoped3A = tpu.sem_alloc : memref<!tpu.dma_semaphore, #tpu.memory_space<semaphore_mem>>
      %dma_start3A = arith.constant 0 : i32
      %dma_start3A_17 = tpu.memref_slice %arg3[%mul3A_2, %dma_start3A] : memref<2560x125xi32, #tpu.memory_space<hbm>> -> memref<80x125xi32, #tpu.memory_space<hbm>>
      %dma_start3A_18 = arith.constant 0 : i32
      %dma_start3A_19 = tpu.memref_slice %arg3[%mul3A_2, %dma_start3A_18] : memref<2560x125xi32, #tpu.memory_space<hbm>> -> memref<80x125xi32, #tpu.memory_space<hbm>>
      tpu.enqueue_dma source(%dma_start3A_19 : memref<80x125xi32, #tpu.memory_space<hbm>>) target(%arg7 : memref<80x125xi32, #tpu.memory_space<vmem>>) target_semaphore(%run_scoped3A : memref<!tpu.dma_semaphore, #tpu.memory_space<semaphore_mem>>)
      %dma_wait3A = arith.constant 0 : i32
      %dma_wait3A_20 = tpu.memref_slice %arg3[%mul3A_2, %dma_wait3A] : memref<2560x125xi32, #tpu.memory_space<hbm>> -> memref<80x125xi32, #tpu.memory_space<hbm>>
      %dma_wait3A_21 = arith.constant 0 : i32
      %dma_wait3A_22 = tpu.memref_slice %arg3[%mul3A_2, %dma_wait3A_21] : memref<2560x125xi32, #tpu.memory_space<hbm>> -> memref<80x125xi32, #tpu.memory_space<hbm>>
      tpu.wait_dma2 semaphore(%run_scoped3A : memref<!tpu.dma_semaphore, #tpu.memory_space<semaphore_mem>>) src(%dma_wait3A_22 : memref<80x125xi32, #tpu.memory_space<hbm>>) dst(%arg7 : memref<80x125xi32, #tpu.memory_space<vmem>>)
      tpu.yield
    }) : () -> ()
    %mul3A_3 = arith.constant 80 : i32
    %mul3A_4 = arith.muli %add3A, %mul3A_3 : i32
    "tpu.region"() ({
      %run_scoped3A = tpu.sem_alloc : memref<!tpu.dma_semaphore, #tpu.memory_space<semaphore_mem>>
      %dma_start3A = arith.constant 0 : i32
      %dma_start3A_17 = tpu.memref_slice %arg4[%mul3A_4, %dma_start3A] : memref<2560x125xi32, #tpu.memory_space<hbm>> -> memref<80x125xi32, #tpu.memory_space<hbm>>
      %dma_start3A_18 = arith.constant 0 : i32
      %dma_start3A_19 = tpu.memref_slice %arg4[%mul3A_4, %dma_start3A_18] : memref<2560x125xi32, #tpu.memory_space<hbm>> -> memref<80x125xi32, #tpu.memory_space<hbm>>
      tpu.enqueue_dma source(%dma_start3A_19 : memref<80x125xi32, #tpu.memory_space<hbm>>) target(%arg8 : memref<80x125xi32, #tpu.memory_space<vmem>>) target_semaphore(%run_scoped3A : memref<!tpu.dma_semaphore, #tpu.memory_space<semaphore_mem>>)
      %dma_wait3A = arith.constant 0 : i32
      %dma_wait3A_20 = tpu.memref_slice %arg4[%mul3A_4, %dma_wait3A] : memref<2560x125xi32, #tpu.memory_space<hbm>> -> memref<80x125xi32, #tpu.memory_space<hbm>>
      %dma_wait3A_21 = arith.constant 0 : i32
      %dma_wait3A_22 = tpu.memref_slice %arg4[%mul3A_4, %dma_wait3A_21] : memref<2560x125xi32, #tpu.memory_space<hbm>> -> memref<80x125xi32, #tpu.memory_space<hbm>>
      tpu.wait_dma2 semaphore(%run_scoped3A : memref<!tpu.dma_semaphore, #tpu.memory_space<semaphore_mem>>) src(%dma_wait3A_22 : memref<80x125xi32, #tpu.memory_space<hbm>>) dst(%arg8 : memref<80x125xi32, #tpu.memory_space<vmem>>)
      tpu.yield
    }) : () -> ()
    %mul3A_5 = arith.constant 640 : i32
    %mul3A_6 = arith.muli %arg1, %mul3A_5 : i32
    "tpu.region"() ({
      %run_scoped3A = tpu.sem_alloc : memref<!tpu.dma_semaphore, #tpu.memory_space<semaphore_mem>>
      %dma_start3A = arith.constant 0 : i32
      %dma_start3A_17 = tpu.memref_slice %arg10[%mul3A_6, %dma_start3A] : memref<10240x128xf32, #tpu.memory_space<vmem_shared>> -> memref<640x128xf32, #tpu.memory_space<vmem_shared>>
      tpu.enqueue_dma source(%arg5 : memref<640x128xf32, #tpu.memory_space<hbm>>) target(%dma_start3A_17 : memref<640x128xf32, #tpu.memory_space<vmem_shared>>) target_semaphore(%run_scoped3A : memref<!tpu.dma_semaphore, #tpu.memory_space<semaphore_mem>>)
      %dma_wait3A = arith.constant 0 : i32
      %dma_wait3A_18 = tpu.memref_slice %arg10[%mul3A_6, %dma_wait3A] : memref<10240x128xf32, #tpu.memory_space<vmem_shared>> -> memref<640x128xf32, #tpu.memory_space<vmem_shared>>
      tpu.wait_dma2 semaphore(%run_scoped3A : memref<!tpu.dma_semaphore, #tpu.memory_space<semaphore_mem>>) src(%arg5 : memref<640x128xf32, #tpu.memory_space<hbm>>) dst(%dma_wait3A_18 : memref<640x128xf32, #tpu.memory_space<vmem_shared>>)
      tpu.yield
    }) : () -> ()
    %barrier3A = arith.constant 0 : index
    tpu.barrier barrier_id(%barrier3A)
    %scan3A = arith.constant 0 : i32
    %scan3A_7 = arith.constant 0 : i32
    %scan3A_8 = arith.constant 80 : i32
    %scan3A_9 = arith.addi %scan3A_7, %scan3A_8 : i32
    %scan3A_10 = arith.constant 1 : i32
    scf.for %scan3A_17 = %scan3A_7 to %scan3A_9 step %scan3A_10  : i32 {
      %dma_start3A = arith.constant 0 : i32
      %dma_start3A_18 = tpu.memref_slice %arg7[%scan3A_17, %dma_start3A] : memref<80x125xi32, #tpu.memory_space<vmem>> -> memref<1x125xi32, #tpu.memory_space<vmem>>
      %dma_start3A_19 = tpu.memref_squeeze %dma_start3A_18 : memref<1x125xi32, #tpu.memory_space<vmem>> -> memref<125xi32, #tpu.memory_space<vmem>>
      %dma_start3A_20 = arith.constant 0 : i32
      %dma_start3A_21 = arith.constant 0 : i32
      %dma_start3A_22 = tpu.memref_slice %arg2[%dma_start3A_20, %dma_start3A_21] : memref<10000x128xf32, #tpu.memory_space<hbm>> -> memref<10000x128xf32, #tpu.memory_space<hbm>>
      tpu.enqueue_indirect_dma source(%dma_start3A_22 : memref<10000x128xf32, #tpu.memory_space<hbm>>) target(%arg9 : memref<125x128xf32, #tpu.memory_space<vmem>>) offsets(%dma_start3A_19 : memref<125xi32, #tpu.memory_space<vmem>>) semaphore(%arg11 : memref<!tpu.dma_semaphore, #tpu.memory_space<semaphore_mem>>)
      %dma_wait3A = arith.constant 0 : i32
      %dma_wait3A_23 = tpu.memref_slice %arg7[%scan3A_17, %dma_wait3A] : memref<80x125xi32, #tpu.memory_space<vmem>> -> memref<1x125xi32, #tpu.memory_space<vmem>>
      %dma_wait3A_24 = tpu.memref_squeeze %dma_wait3A_23 : memref<1x125xi32, #tpu.memory_space<vmem>> -> memref<125xi32, #tpu.memory_space<vmem>>
      %dma_wait3A_25 = arith.constant 0 : i32
      %dma_wait3A_26 = arith.constant 0 : i32
      %dma_wait3A_27 = tpu.memref_slice %arg2[%dma_wait3A_25, %dma_wait3A_26] : memref<10000x128xf32, #tpu.memory_space<hbm>> -> memref<10000x128xf32, #tpu.memory_space<hbm>>
      tpu.wait_indirect_dma semaphore(%arg11 : memref<!tpu.dma_semaphore, #tpu.memory_space<semaphore_mem>>) src(%dma_wait3A_27 : memref<10000x128xf32, #tpu.memory_space<hbm>>) dst(%arg9 : memref<125x128xf32, #tpu.memory_space<vmem>>)
      "tpu.region"() ({
        %run_scoped3A = tpu.sem_alloc : memref<!tpu.dma_semaphore, #tpu.memory_space<semaphore_mem>>
        %dma_start3A_28 = arith.constant 0 : i32
        %dma_start3A_29 = tpu.memref_slice %arg8[%scan3A_17, %dma_start3A_28] : memref<80x125xi32, #tpu.memory_space<vmem>> -> memref<1x125xi32, #tpu.memory_space<vmem>>
        %dma_start3A_30 = tpu.memref_squeeze %dma_start3A_29 : memref<1x125xi32, #tpu.memory_space<vmem>> -> memref<125xi32, #tpu.memory_space<vmem>>
        %dma_start3A_31 = arith.constant 0 : i32
        %dma_start3A_32 = arith.constant 0 : i32
        %dma_start3A_33 = tpu.memref_slice %arg10[%dma_start3A_31, %dma_start3A_32] : memref<10240x128xf32, #tpu.memory_space<vmem_shared>> -> memref<10240x128xf32, #tpu.memory_space<vmem_shared>>
        tpu.enqueue_indirect_dma source(%arg9 : memref<125x128xf32, #tpu.memory_space<vmem>>) target(%dma_start3A_33 : memref<10240x128xf32, #tpu.memory_space<vmem_shared>>) offsets(%dma_start3A_30 : memref<125xi32, #tpu.memory_space<vmem>>) semaphore(%run_scoped3A : memref<!tpu.dma_semaphore, #tpu.memory_space<semaphore_mem>>) {add = true}
        %dma_wait3A_34 = arith.constant 0 : i32
        %dma_wait3A_35 = tpu.memref_slice %arg8[%scan3A_17, %dma_wait3A_34] : memref<80x125xi32, #tpu.memory_space<vmem>> -> memref<1x125xi32, #tpu.memory_space<vmem>>
        %dma_wait3A_36 = tpu.memref_squeeze %dma_wait3A_35 : memref<1x125xi32, #tpu.memory_space<vmem>> -> memref<125xi32, #tpu.memory_space<vmem>>
        %dma_wait3A_37 = arith.constant 0 : i32
        %dma_wait3A_38 = arith.constant 0 : i32
        %dma_wait3A_39 = tpu.memref_slice %arg10[%dma_wait3A_37, %dma_wait3A_38] : memref<10240x128xf32, #tpu.memory_space<vmem_shared>> -> memref<10240x128xf32, #tpu.memory_space<vmem_shared>>
        tpu.wait_indirect_dma semaphore(%run_scoped3A : memref<!tpu.dma_semaphore, #tpu.memory_space<semaphore_mem>>) src(%arg9 : memref<125x128xf32, #tpu.memory_space<vmem>>) dst(%dma_wait3A_39 : memref<10240x128xf32, #tpu.memory_space<vmem_shared>>)
        tpu.yield
      }) : () -> ()
    }
    %scan3A_11 = arith.constant 80 : i32
    %barrier3A_12 = arith.constant 0 : index
    tpu.barrier barrier_id(%barrier3A_12)
    %mul3A_13 = arith.constant 640 : i32
    %mul3A_14 = arith.muli %arg1, %mul3A_13 : i32
    %mul3A_15 = arith.constant 640 : i32
    %mul3A_16 = arith.muli %arg1, %mul3A_15 : i32
    "tpu.region"() ({
      %run_scoped3A = tpu.sem_alloc : memref<!tpu.dma_semaphore, #tpu.memory_space<semaphore_mem>>
      %dma_start3A = arith.constant 0 : i32
      %dma_start3A_17 = tpu.memref_slice %arg6[%arg0, %mul3A_16, %dma_start3A] : memref<2x10240x128xf32, #tpu.memory_space<hbm>> -> memref<1x640x128xf32, #tpu.memory_space<hbm>>
      %dma_start3A_18 = tpu.memref_squeeze %dma_start3A_17 : memref<1x640x128xf32, #tpu.memory_space<hbm>> -> memref<640x128xf32, #tpu.memory_space<hbm>>
      %dma_start3A_19 = arith.constant 0 : i32
      %dma_start3A_20 = tpu.memref_slice %arg10[%mul3A_14, %dma_start3A_19] : memref<10240x128xf32, #tpu.memory_space<vmem_shared>> -> memref<640x128xf32, #tpu.memory_space<vmem_shared>>
      tpu.enqueue_dma source(%dma_start3A_20 : memref<640x128xf32, #tpu.memory_space<vmem_shared>>) target(%dma_start3A_18 : memref<640x128xf32, #tpu.memory_space<hbm>>) target_semaphore(%run_scoped3A : memref<!tpu.dma_semaphore, #tpu.memory_space<semaphore_mem>>)
      %dma_wait3A = arith.constant 0 : i32
      %dma_wait3A_21 = tpu.memref_slice %arg6[%arg0, %mul3A_16, %dma_wait3A] : memref<2x10240x128xf32, #tpu.memory_space<hbm>> -> memref<1x640x128xf32, #tpu.memory_space<hbm>>
      %dma_wait3A_22 = tpu.memref_squeeze %dma_wait3A_21 : memref<1x640x128xf32, #tpu.memory_space<hbm>> -> memref<640x128xf32, #tpu.memory_space<hbm>>
      %dma_wait3A_23 = arith.constant 0 : i32
      %dma_wait3A_24 = tpu.memref_slice %arg10[%mul3A_14, %dma_wait3A_23] : memref<10240x128xf32, #tpu.memory_space<vmem_shared>> -> memref<640x128xf32, #tpu.memory_space<vmem_shared>>
      tpu.wait_dma2 semaphore(%run_scoped3A : memref<!tpu.dma_semaphore, #tpu.memory_space<semaphore_mem>>) src(%dma_wait3A_24 : memref<640x128xf32, #tpu.memory_space<vmem_shared>>) dst(%dma_wait3A_22 : memref<640x128xf32, #tpu.memory_space<hbm>>)
      tpu.yield
    }) : () -> ()
    return
  }
}

module attributes {stable_mosaic.version = 14 : i64} {
  func.func @body(%arg0: i32, %arg1: memref<2000x128xf32, #tpu.memory_space<vmem>>, %arg2: memref<128x256xf32, #tpu.memory_space<vmem>>, %arg3: memref<2000x128xf32, #tpu.memory_space<vmem>>, %arg4: memref<2000x128xf32, #tpu.memory_space<vmem>>) attributes {dimension_semantics = [#tpu.dimension_semantics<arbitrary>], iteration_bounds = array<i64: 5>, scalar_prefetch = 0 : i64, scratch_operands = 0 : i64, tpu.core_type = #tpu.core_type<tc>, window_params = [{transform_indices = @transform_0, window_bounds = array<i64: 2000, 128>}, {pipeline_mode = #tpu.pipeline_mode<synchronous>, transform_indices = @transform_1, window_bounds = array<i64: 128, 256>}, {transform_indices = @transform_2, window_bounds = array<i64: 2000, 128>}, {transform_indices = @transform_3, window_bounds = array<i64: 2000, 128>}]} {
    %get3A = arith.constant 0 : index
    %get3A_0 = arith.constant 0 : index
    %get3A_1 = vector.load %arg1[%get3A, %get3A_0] : memref<2000x128xf32, #tpu.memory_space<vmem>>, vector<2000x128xf32>
    %get3A_2 = arith.constant 0 : index
    %get3A_3 = arith.constant 0 : index
    %get3A_4 = vector.load %arg2[%get3A_2, %get3A_3] : memref<128x256xf32, #tpu.memory_space<vmem>>, vector<128x256xf32>
    %dot_general3A = arith.constant dense<0.000000e+00> : vector<2000x256xf32>
    %dot_general3A_5 = tpu.matmul %get3A_1, %get3A_4, %dot_general3A {dimension_numbers = #tpu.dot_dimension_numbers<[1], [0], [0], [1], [0, 0, 1, 1], [], []>, transpose_lhs_hint = false} : vector<2000x128xf32>, vector<128x256xf32>, vector<2000x256xf32> -> vector<2000x256xf32>
    %slice3A = vector.extract_strided_slice %dot_general3A_5 {offsets = [0, 0], sizes = [2000, 128], strides = [1, 1]} : vector<2000x256xf32> to vector<2000x128xf32>
    %swap3A = arith.constant 0 : index
    %swap3A_6 = arith.constant 0 : index
    %swap3A_7 = vector.load %arg3[%swap3A, %swap3A_6] : memref<2000x128xf32, #tpu.memory_space<vmem>>, vector<2000x128xf32>
    tpu.vector_store %arg3[%swap3A, %swap3A_6], %slice3A {strides = array<i32>} : memref<2000x128xf32, #tpu.memory_space<vmem>>, vector<2000x128xf32>,
    %slice3A_8 = vector.extract_strided_slice %dot_general3A_5 {offsets = [0, 128], sizes = [2000, 128], strides = [1, 1]} : vector<2000x256xf32> to vector<2000x128xf32>
    %swap3A_9 = arith.constant 0 : index
    %swap3A_10 = arith.constant 0 : index
    %swap3A_11 = vector.load %arg4[%swap3A_9, %swap3A_10] : memref<2000x128xf32, #tpu.memory_space<vmem>>, vector<2000x128xf32>
    tpu.vector_store %arg4[%swap3A_9, %swap3A_10], %slice3A_8 {strides = array<i32>} : memref<2000x128xf32, #tpu.memory_space<vmem>>, vector<2000x128xf32>,
    return
  }
  func.func @transform_0(%arg0: i32) -> (i32, i32) {
    %c0_i32 = arith.constant 0 : i32
    %c0_i32_0 = arith.constant 0 : i32
    return %arg0, %c0_i32 : i32, i32
  }
  func.func @transform_1(%arg0: i32) -> (i32, i32) {
    %c0_i32 = arith.constant 0 : i32
    %c0_i32_0 = arith.constant 0 : i32
    %c0_i32_1 = arith.constant 0 : i32
    return %c0_i32, %c0_i32_0 : i32, i32
  }
  func.func @transform_2(%arg0: i32) -> (i32, i32) {
    %c0_i32 = arith.constant 0 : i32
    %c0_i32_0 = arith.constant 0 : i32
    return %arg0, %c0_i32 : i32, i32
  }
  func.func @transform_3(%arg0: i32) -> (i32, i32) {
    %c0_i32 = arith.constant 0 : i32
    %c0_i32_0 = arith.constant 0 : i32
    return %arg0, %c0_i32 : i32, i32
  }
}

module attributes {stable_mosaic.version = 14 : i64} {
  func.func @body(%arg0: i32, %arg1: memref<2000x128xf32, #tpu.memory_space<vmem>>, %arg2: memref<2000x128xf32, #tpu.memory_space<vmem>>, %arg3: memref<2000x128xf32, #tpu.memory_space<vmem>>, %arg4: memref<2000x128xf32, #tpu.memory_space<vmem>>, %arg5: memref<2000x128xf32, #tpu.memory_space<vmem>>, %arg6: memref<2000x128xf32, #tpu.memory_space<vmem>>) attributes {dimension_semantics = [#tpu.dimension_semantics<arbitrary>], iteration_bounds = array<i64: 5>, scalar_prefetch = 0 : i64, scratch_operands = 0 : i64, tpu.core_type = #tpu.core_type<tc>, window_params = [{transform_indices = @transform_0, window_bounds = array<i64: 2000, 128>}, {transform_indices = @transform_1, window_bounds = array<i64: 2000, 128>}, {transform_indices = @transform_2, window_bounds = array<i64: 2000, 128>}, {transform_indices = @transform_3, window_bounds = array<i64: 2000, 128>}, {transform_indices = @transform_4, window_bounds = array<i64: 2000, 128>}, {transform_indices = @transform_5, window_bounds = array<i64: 2000, 128>}]} {
    %get3A = arith.constant 0 : index
    %get3A_0 = arith.constant 0 : index
    %get3A_1 = vector.load %arg3[%get3A, %get3A_0] : memref<2000x128xf32, #tpu.memory_space<vmem>>, vector<2000x128xf32>
    %slice3A = vector.extract_strided_slice %get3A_1 {offsets = [0, 0], sizes = [2000, 1], strides = [1, 1]} : vector<2000x128xf32> to vector<2000x1xf32>
    %get3A_2 = arith.constant 0 : index
    %get3A_3 = arith.constant 0 : index
    %get3A_4 = vector.load %arg4[%get3A_2, %get3A_3] : memref<2000x128xf32, #tpu.memory_space<vmem>>, vector<2000x128xf32>
    %slice3A_5 = vector.extract_strided_slice %get3A_4 {offsets = [0, 0], sizes = [2000, 1], strides = [1, 1]} : vector<2000x128xf32> to vector<2000x1xf32>
    %add3A = arith.addf %slice3A, %slice3A_5 : vector<2000x1xf32>
    %add3A_6 = arith.constant 1.000000e+00 : f32
    %add3A_7 = vector.broadcast %add3A_6 : f32 to vector<2000x1xf32>
    %add3A_8 = arith.addf %add3A, %add3A_7 : vector<2000x1xf32>
    %rsqrt3A = math.rsqrt %add3A_8 : vector<2000x1xf32>
    %get3A_9 = arith.constant 0 : index
    %get3A_10 = arith.constant 0 : index
    %get3A_11 = vector.load %arg1[%get3A_9, %get3A_10] : memref<2000x128xf32, #tpu.memory_space<vmem>>, vector<2000x128xf32>
    %mul3A = vector.broadcast %rsqrt3A : vector<2000x1xf32> to vector<2000x128xf32>
    %mul3A_12 = arith.mulf %mul3A, %get3A_11 : vector<2000x128xf32>
    %swap3A = arith.constant 0 : index
    %swap3A_13 = arith.constant 0 : index
    %swap3A_14 = vector.load %arg5[%swap3A, %swap3A_13] : memref<2000x128xf32, #tpu.memory_space<vmem>>, vector<2000x128xf32>
    tpu.vector_store %arg5[%swap3A, %swap3A_13], %mul3A_12 {strides = array<i32>} : memref<2000x128xf32, #tpu.memory_space<vmem>>, vector<2000x128xf32>,
    %get3A_15 = arith.constant 0 : index
    %get3A_16 = arith.constant 0 : index
    %get3A_17 = vector.load %arg2[%get3A_15, %get3A_16] : memref<2000x128xf32, #tpu.memory_space<vmem>>, vector<2000x128xf32>
    %mul3A_18 = vector.broadcast %rsqrt3A : vector<2000x1xf32> to vector<2000x128xf32>
    %mul3A_19 = arith.mulf %mul3A_18, %get3A_17 : vector<2000x128xf32>
    %swap3A_20 = arith.constant 0 : index
    %swap3A_21 = arith.constant 0 : index
    %swap3A_22 = vector.load %arg6[%swap3A_20, %swap3A_21] : memref<2000x128xf32, #tpu.memory_space<vmem>>, vector<2000x128xf32>
    tpu.vector_store %arg6[%swap3A_20, %swap3A_21], %mul3A_19 {strides = array<i32>} : memref<2000x128xf32, #tpu.memory_space<vmem>>, vector<2000x128xf32>,
    return
  }
  func.func @transform_0(%arg0: i32) -> (i32, i32) {
    %c0_i32 = arith.constant 0 : i32
    %c0_i32_0 = arith.constant 0 : i32
    return %arg0, %c0_i32 : i32, i32
  }
  func.func @transform_1(%arg0: i32) -> (i32, i32) {
    %c0_i32 = arith.constant 0 : i32
    %c0_i32_0 = arith.constant 0 : i32
    return %arg0, %c0_i32 : i32, i32
  }
  func.func @transform_2(%arg0: i32) -> (i32, i32) {
    %c0_i32 = arith.constant 0 : i32
    %c0_i32_0 = arith.constant 0 : i32
    return %arg0, %c0_i32 : i32, i32
  }
  func.func @transform_3(%arg0: i32) -> (i32, i32) {
    %c0_i32 = arith.constant 0 : i32
    %c0_i32_0 = arith.constant 0 : i32
    return %arg0, %c0_i32 : i32, i32
  }
  func.func @transform_4(%arg0: i32) -> (i32, i32) {
    %c0_i32 = arith.constant 0 : i32
    %c0_i32_0 = arith.constant 0 : i32
    return %arg0, %c0_i32 : i32, i32
  }
  func.func @transform_5(%arg0: i32) -> (i32, i32) {
    %c0_i32 = arith.constant 0 : i32
    %c0_i32_0 = arith.constant 0 : i32
    return %arg0, %c0_i32 : i32, i32
  }
}

module attributes {stable_mosaic.version = 14 : i64} {
  func.func @body(%arg0: i32, %arg1: memref<2000x128xf32, #tpu.memory_space<vmem>>, %arg2: memref<2000x128xf32, #tpu.memory_space<vmem>>, %arg3: memref<2000x128xf32, #tpu.memory_space<vmem>>, %arg4: memref<2000x128xf32, #tpu.memory_space<vmem>>, %arg5: memref<2000x128xf32, #tpu.memory_space<vmem>>, %arg6: memref<2000x128xf32, #tpu.memory_space<vmem>>, %arg7: memref<2000x128xf32, #tpu.memory_space<vmem>>, %arg8: memref<2000x128xf32, #tpu.memory_space<vmem>>, %arg9: memref<1x256xf32, #tpu.memory_space<vmem>>, %arg10: memref<256x128xf32, #tpu.memory_space<vmem>>, %arg11: memref<2000x128xf32, #tpu.memory_space<vmem>>) attributes {dimension_semantics = [#tpu.dimension_semantics<arbitrary>], iteration_bounds = array<i64: 5>, scalar_prefetch = 0 : i64, scratch_operands = 0 : i64, tpu.core_type = #tpu.core_type<tc>, window_params = [{transform_indices = @transform_0, window_bounds = array<i64: 2000, 128>}, {transform_indices = @transform_1, window_bounds = array<i64: 2000, 128>}, {transform_indices = @transform_2, window_bounds = array<i64: 2000, 128>}, {transform_indices = @transform_3, window_bounds = array<i64: 2000, 128>}, {transform_indices = @transform_4, window_bounds = array<i64: 2000, 128>}, {transform_indices = @transform_5, window_bounds = array<i64: 2000, 128>}, {transform_indices = @transform_6, window_bounds = array<i64: 2000, 128>}, {transform_indices = @transform_7, window_bounds = array<i64: 2000, 128>}, {pipeline_mode = #tpu.pipeline_mode<synchronous>, transform_indices = @transform_8, window_bounds = array<i64: 1, 256>}, {pipeline_mode = #tpu.pipeline_mode<synchronous>, transform_indices = @transform_9, window_bounds = array<i64: 256, 128>}, {transform_indices = @transform_10, window_bounds = array<i64: 2000, 128>}]} {
    %get3A = arith.constant 0 : index
    %get3A_0 = arith.constant 0 : index
    %get3A_1 = vector.load %arg7[%get3A, %get3A_0] : memref<2000x128xf32, #tpu.memory_space<vmem>>, vector<2000x128xf32>
    %slice3A = vector.extract_strided_slice %get3A_1 {offsets = [0, 0], sizes = [2000, 1], strides = [1, 1]} : vector<2000x128xf32> to vector<2000x1xf32>
    %get3A_2 = arith.constant 0 : index
    %get3A_3 = arith.constant 0 : index
    %get3A_4 = vector.load %arg8[%get3A_2, %get3A_3] : memref<2000x128xf32, #tpu.memory_space<vmem>>, vector<2000x128xf32>
    %slice3A_5 = vector.extract_strided_slice %get3A_4 {offsets = [0, 0], sizes = [2000, 1], strides = [1, 1]} : vector<2000x128xf32> to vector<2000x1xf32>
    %add3A = arith.addf %slice3A, %slice3A_5 : vector<2000x1xf32>
    %add3A_6 = arith.constant 1.000000e+00 : f32
    %add3A_7 = vector.broadcast %add3A_6 : f32 to vector<2000x1xf32>
    %add3A_8 = arith.addf %add3A, %add3A_7 : vector<2000x1xf32>
    %rsqrt3A = math.rsqrt %add3A_8 : vector<2000x1xf32>
    %get3A_9 = arith.constant 0 : index
    %get3A_10 = arith.constant 0 : index
    %get3A_11 = vector.load %arg1[%get3A_9, %get3A_10] : memref<2000x128xf32, #tpu.memory_space<vmem>>, vector<2000x128xf32>
    %get3A_12 = arith.constant 0 : index
    %get3A_13 = arith.constant 0 : index
    %get3A_14 = vector.load %arg2[%get3A_12, %get3A_13] : memref<2000x128xf32, #tpu.memory_space<vmem>>, vector<2000x128xf32>
    %add3A_15 = arith.addf %get3A_11, %get3A_14 : vector<2000x128xf32>
    %get3A_16 = arith.constant 0 : index
    %get3A_17 = arith.constant 0 : index
    %get3A_18 = vector.load %arg5[%get3A_16, %get3A_17] : memref<2000x128xf32, #tpu.memory_space<vmem>>, vector<2000x128xf32>
    %add3A_19 = arith.addf %add3A_15, %get3A_18 : vector<2000x128xf32>
    %mul3A = vector.broadcast %rsqrt3A : vector<2000x1xf32> to vector<2000x128xf32>
    %mul3A_20 = arith.mulf %mul3A, %add3A_19 : vector<2000x128xf32>
    %get3A_21 = arith.constant 0 : index
    %get3A_22 = arith.constant 0 : index
    %get3A_23 = vector.load %arg3[%get3A_21, %get3A_22] : memref<2000x128xf32, #tpu.memory_space<vmem>>, vector<2000x128xf32>
    %get3A_24 = arith.constant 0 : index
    %get3A_25 = arith.constant 0 : index
    %get3A_26 = vector.load %arg4[%get3A_24, %get3A_25] : memref<2000x128xf32, #tpu.memory_space<vmem>>, vector<2000x128xf32>
    %add3A_27 = arith.addf %get3A_23, %get3A_26 : vector<2000x128xf32>
    %get3A_28 = arith.constant 0 : index
    %get3A_29 = arith.constant 0 : index
    %get3A_30 = vector.load %arg6[%get3A_28, %get3A_29] : memref<2000x128xf32, #tpu.memory_space<vmem>>, vector<2000x128xf32>
    %add3A_31 = arith.addf %add3A_27, %get3A_30 : vector<2000x128xf32>
    %mul3A_32 = vector.broadcast %rsqrt3A : vector<2000x1xf32> to vector<2000x128xf32>
    %mul3A_33 = arith.mulf %mul3A_32, %add3A_31 : vector<2000x128xf32>
    %concatenate3A = tpu.concatenate %mul3A_20, %mul3A_33 in 1 : vector<2000x128xf32>, vector<2000x128xf32> -> vector<2000x256xf32>
    %get3A_34 = arith.constant 0 : index
    %get3A_35 = arith.constant 0 : index
    %get3A_36 = vector.load %arg9[%get3A_34, %get3A_35] : memref<1x256xf32, #tpu.memory_space<vmem>>, vector<1x256xf32>
    %add3A_37 = vector.broadcast %get3A_36 : vector<1x256xf32> to vector<2000x256xf32>
    %add3A_38 = arith.addf %concatenate3A, %add3A_37 : vector<2000x256xf32>
    %max3A = arith.constant 0.000000e+00 : f32
    %max3A_39 = vector.broadcast %max3A : f32 to vector<2000x256xf32>
    %max3A_40 = arith.maximumf %add3A_38, %max3A_39 : vector<2000x256xf32>
    %get3A_41 = arith.constant 0 : index
    %get3A_42 = arith.constant 0 : index
    %get3A_43 = vector.load %arg10[%get3A_41, %get3A_42] : memref<256x128xf32, #tpu.memory_space<vmem>>, vector<256x128xf32>
    %dot_general3A = arith.constant dense<0.000000e+00> : vector<2000x128xf32>
    %dot_general3A_44 = tpu.matmul %max3A_40, %get3A_43, %dot_general3A {dimension_numbers = #tpu.dot_dimension_numbers<[1], [0], [0], [1], [0, 0, 1, 1], [], []>, transpose_lhs_hint = false} : vector<2000x256xf32>, vector<256x128xf32>, vector<2000x128xf32> -> vector<2000x128xf32>
    %mul3A_45 = vector.broadcast %rsqrt3A : vector<2000x1xf32> to vector<2000x128xf32>
    %mul3A_46 = arith.mulf %mul3A_45, %dot_general3A_44 : vector<2000x128xf32>
    %swap3A = arith.constant 0 : index
    %swap3A_47 = arith.constant 0 : index
    %swap3A_48 = vector.load %arg11[%swap3A, %swap3A_47] : memref<2000x128xf32, #tpu.memory_space<vmem>>, vector<2000x128xf32>
    tpu.vector_store %arg11[%swap3A, %swap3A_47], %mul3A_46 {strides = array<i32>} : memref<2000x128xf32, #tpu.memory_space<vmem>>, vector<2000x128xf32>,
    return
  }
  func.func @transform_0(%arg0: i32) -> (i32, i32) {
    %c0_i32 = arith.constant 0 : i32
    %c0_i32_0 = arith.constant 0 : i32
    return %arg0, %c0_i32 : i32, i32
  }
  func.func @transform_1(%arg0: i32) -> (i32, i32) {
    %c0_i32 = arith.constant 0 : i32
    %c0_i32_0 = arith.constant 0 : i32
    return %arg0, %c0_i32 : i32, i32
  }
  func.func @transform_2(%arg0: i32) -> (i32, i32) {
    %c0_i32 = arith.constant 0 : i32
    %c0_i32_0 = arith.constant 0 : i32
    return %arg0, %c0_i32 : i32, i32
  }
  func.func @transform_3(%arg0: i32) -> (i32, i32) {
    %c0_i32 = arith.constant 0 : i32
    %c0_i32_0 = arith.constant 0 : i32
    return %arg0, %c0_i32 : i32, i32
  }
  func.func @transform_4(%arg0: i32) -> (i32, i32) {
    %c0_i32 = arith.constant 0 : i32
    %c0_i32_0 = arith.constant 0 : i32
    return %arg0, %c0_i32 : i32, i32
  }
  func.func @transform_5(%arg0: i32) -> (i32, i32) {
    %c0_i32 = arith.constant 0 : i32
    %c0_i32_0 = arith.constant 0 : i32
    return %arg0, %c0_i32 : i32, i32
  }
  func.func @transform_6(%arg0: i32) -> (i32, i32) {
    %c0_i32 = arith.constant 0 : i32
    %c0_i32_0 = arith.constant 0 : i32
    return %arg0, %c0_i32 : i32, i32
  }
  func.func @transform_7(%arg0: i32) -> (i32, i32) {
    %c0_i32 = arith.constant 0 : i32
    %c0_i32_0 = arith.constant 0 : i32
    return %arg0, %c0_i32 : i32, i32
  }
  func.func @transform_8(%arg0: i32) -> (i32, i32) {
    %c0_i32 = arith.constant 0 : i32
    %c0_i32_0 = arith.constant 0 : i32
    %c0_i32_1 = arith.constant 0 : i32
    return %c0_i32, %c0_i32_0 : i32, i32
  }
  func.func @transform_9(%arg0: i32) -> (i32, i32) {
    %c0_i32 = arith.constant 0 : i32
    %c0_i32_0 = arith.constant 0 : i32
    %c0_i32_1 = arith.constant 0 : i32
    return %c0_i32, %c0_i32_0 : i32, i32
  }
  func.func @transform_10(%arg0: i32) -> (i32, i32) {
    %c0_i32 = arith.constant 0 : i32
    %c0_i32_0 = arith.constant 0 : i32
    return %arg0, %c0_i32 : i32, i32
  }
}

module attributes {stable_mosaic.version = 14 : i64} {
  func.func @body(%arg0: i32, %arg1: memref<2000x128xf32, #tpu.memory_space<vmem>>, %arg2: memref<2000x128xf32, #tpu.memory_space<vmem>>, %arg3: memref<2000x128xf32, #tpu.memory_space<vmem>>, %arg4: memref<2000x128xf32, #tpu.memory_space<vmem>>, %arg5: memref<2000x128xf32, #tpu.memory_space<vmem>>, %arg6: memref<1x128xf32, #tpu.memory_space<vmem>>, %arg7: memref<128x128xf32, #tpu.memory_space<vmem>>, %arg8: memref<2000x128xf32, #tpu.memory_space<vmem>>) attributes {dimension_semantics = [#tpu.dimension_semantics<arbitrary>], iteration_bounds = array<i64: 5>, scalar_prefetch = 0 : i64, scratch_operands = 0 : i64, tpu.core_type = #tpu.core_type<tc>, window_params = [{transform_indices = @transform_0, window_bounds = array<i64: 2000, 128>}, {transform_indices = @transform_1, window_bounds = array<i64: 2000, 128>}, {transform_indices = @transform_2, window_bounds = array<i64: 2000, 128>}, {transform_indices = @transform_3, window_bounds = array<i64: 2000, 128>}, {transform_indices = @transform_4, window_bounds = array<i64: 2000, 128>}, {pipeline_mode = #tpu.pipeline_mode<synchronous>, transform_indices = @transform_5, window_bounds = array<i64: 1, 128>}, {pipeline_mode = #tpu.pipeline_mode<synchronous>, transform_indices = @transform_6, window_bounds = array<i64: 128, 128>}, {transform_indices = @transform_7, window_bounds = array<i64: 2000, 128>}]} {
    %get3A = arith.constant 0 : index
    %get3A_0 = arith.constant 0 : index
    %get3A_1 = vector.load %arg4[%get3A, %get3A_0] : memref<2000x128xf32, #tpu.memory_space<vmem>>, vector<2000x128xf32>
    %slice3A = vector.extract_strided_slice %get3A_1 {offsets = [0, 0], sizes = [2000, 1], strides = [1, 1]} : vector<2000x128xf32> to vector<2000x1xf32>
    %get3A_2 = arith.constant 0 : index
    %get3A_3 = arith.constant 0 : index
    %get3A_4 = vector.load %arg5[%get3A_2, %get3A_3] : memref<2000x128xf32, #tpu.memory_space<vmem>>, vector<2000x128xf32>
    %slice3A_5 = vector.extract_strided_slice %get3A_4 {offsets = [0, 0], sizes = [2000, 1], strides = [1, 1]} : vector<2000x128xf32> to vector<2000x1xf32>
    %add3A = arith.addf %slice3A, %slice3A_5 : vector<2000x1xf32>
    %add3A_6 = arith.constant 1.000000e+00 : f32
    %add3A_7 = vector.broadcast %add3A_6 : f32 to vector<2000x1xf32>
    %add3A_8 = arith.addf %add3A, %add3A_7 : vector<2000x1xf32>
    %rsqrt3A = math.rsqrt %add3A_8 : vector<2000x1xf32>
    %get3A_9 = arith.constant 0 : index
    %get3A_10 = arith.constant 0 : index
    %get3A_11 = vector.load %arg1[%get3A_9, %get3A_10] : memref<2000x128xf32, #tpu.memory_space<vmem>>, vector<2000x128xf32>
    %get3A_12 = arith.constant 0 : index
    %get3A_13 = arith.constant 0 : index
    %get3A_14 = vector.load %arg2[%get3A_12, %get3A_13] : memref<2000x128xf32, #tpu.memory_space<vmem>>, vector<2000x128xf32>
    %add3A_15 = arith.addf %get3A_11, %get3A_14 : vector<2000x128xf32>
    %get3A_16 = arith.constant 0 : index
    %get3A_17 = arith.constant 0 : index
    %get3A_18 = vector.load %arg3[%get3A_16, %get3A_17] : memref<2000x128xf32, #tpu.memory_space<vmem>>, vector<2000x128xf32>
    %add3A_19 = arith.addf %add3A_15, %get3A_18 : vector<2000x128xf32>
    %mul3A = vector.broadcast %rsqrt3A : vector<2000x1xf32> to vector<2000x128xf32>
    %mul3A_20 = arith.mulf %mul3A, %add3A_19 : vector<2000x128xf32>
    %get3A_21 = arith.constant 0 : index
    %get3A_22 = arith.constant 0 : index
    %get3A_23 = vector.load %arg6[%get3A_21, %get3A_22] : memref<1x128xf32, #tpu.memory_space<vmem>>, vector<1x128xf32>
    %add3A_24 = vector.broadcast %get3A_23 : vector<1x128xf32> to vector<2000x128xf32>
    %add3A_25 = arith.addf %mul3A_20, %add3A_24 : vector<2000x128xf32>
    %max3A = arith.constant 0.000000e+00 : f32
    %max3A_26 = vector.broadcast %max3A : f32 to vector<2000x128xf32>
    %max3A_27 = arith.maximumf %add3A_25, %max3A_26 : vector<2000x128xf32>
    %get3A_28 = arith.constant 0 : index
    %get3A_29 = arith.constant 0 : index
    %get3A_30 = vector.load %arg7[%get3A_28, %get3A_29] : memref<128x128xf32, #tpu.memory_space<vmem>>, vector<128x128xf32>
    %dot_general3A = arith.constant dense<0.000000e+00> : vector<2000x128xf32>
    %dot_general3A_31 = tpu.matmul %max3A_27, %get3A_30, %dot_general3A {dimension_numbers = #tpu.dot_dimension_numbers<[1], [0], [0], [1], [0, 0, 1, 1], [], []>, transpose_lhs_hint = false} : vector<2000x128xf32>, vector<128x128xf32>, vector<2000x128xf32> -> vector<2000x128xf32>
    %mul3A_32 = vector.broadcast %rsqrt3A : vector<2000x1xf32> to vector<2000x128xf32>
    %mul3A_33 = arith.mulf %mul3A_32, %dot_general3A_31 : vector<2000x128xf32>
    %swap3A = arith.constant 0 : index
    %swap3A_34 = arith.constant 0 : index
    %swap3A_35 = vector.load %arg8[%swap3A, %swap3A_34] : memref<2000x128xf32, #tpu.memory_space<vmem>>, vector<2000x128xf32>
    tpu.vector_store %arg8[%swap3A, %swap3A_34], %mul3A_33 {strides = array<i32>} : memref<2000x128xf32, #tpu.memory_space<vmem>>, vector<2000x128xf32>,
    return
  }
  func.func @transform_0(%arg0: i32) -> (i32, i32) {
    %c0_i32 = arith.constant 0 : i32
    %c0_i32_0 = arith.constant 0 : i32
    return %arg0, %c0_i32 : i32, i32
  }
  func.func @transform_1(%arg0: i32) -> (i32, i32) {
    %c0_i32 = arith.constant 0 : i32
    %c0_i32_0 = arith.constant 0 : i32
    return %arg0, %c0_i32 : i32, i32
  }
  func.func @transform_2(%arg0: i32) -> (i32, i32) {
    %c0_i32 = arith.constant 0 : i32
    %c0_i32_0 = arith.constant 0 : i32
    return %arg0, %c0_i32 : i32, i32
  }
  func.func @transform_3(%arg0: i32) -> (i32, i32) {
    %c0_i32 = arith.constant 0 : i32
    %c0_i32_0 = arith.constant 0 : i32
    return %arg0, %c0_i32 : i32, i32
  }
  func.func @transform_4(%arg0: i32) -> (i32, i32) {
    %c0_i32 = arith.constant 0 : i32
    %c0_i32_0 = arith.constant 0 : i32
    return %arg0, %c0_i32 : i32, i32
  }
  func.func @transform_5(%arg0: i32) -> (i32, i32) {
    %c0_i32 = arith.constant 0 : i32
    %c0_i32_0 = arith.constant 0 : i32
    %c0_i32_1 = arith.constant 0 : i32
    return %c0_i32, %c0_i32_0 : i32, i32
  }
  func.func @transform_6(%arg0: i32) -> (i32, i32) {
    %c0_i32 = arith.constant 0 : i32
    %c0_i32_0 = arith.constant 0 : i32
    %c0_i32_1 = arith.constant 0 : i32
    return %c0_i32, %c0_i32_0 : i32, i32
  }
  func.func @transform_7(%arg0: i32) -> (i32, i32) {
    %c0_i32 = arith.constant 0 : i32
    %c0_i32_0 = arith.constant 0 : i32
    return %arg0, %c0_i32 : i32, i32
  }
}

module attributes {stable_mosaic.version = 14 : i64} {
  func.func @body(%arg0: i32, %arg1: memref<2000x128xf32, #tpu.memory_space<vmem>>, %arg2: memref<2000x128xf32, #tpu.memory_space<vmem>>, %arg3: memref<2000x128xf32, #tpu.memory_space<vmem>>, %arg4: memref<2000x128xf32, #tpu.memory_space<vmem>>, %arg5: memref<2000x128xf32, #tpu.memory_space<vmem>>, %arg6: memref<1x128xf32, #tpu.memory_space<vmem>>, %arg7: memref<64x1xf32, #tpu.memory_space<vmem>>, %arg8: memref<1x1xf32, #tpu.memory_space<vmem>>, %arg9: memref<2000x1xf32, #tpu.memory_space<vmem>>) attributes {dimension_semantics = [#tpu.dimension_semantics<arbitrary>], iteration_bounds = array<i64: 5>, scalar_prefetch = 0 : i64, scratch_operands = 0 : i64, tpu.core_type = #tpu.core_type<tc>, window_params = [{transform_indices = @transform_0, window_bounds = array<i64: 2000, 128>}, {transform_indices = @transform_1, window_bounds = array<i64: 2000, 128>}, {transform_indices = @transform_2, window_bounds = array<i64: 2000, 128>}, {transform_indices = @transform_3, window_bounds = array<i64: 2000, 128>}, {transform_indices = @transform_4, window_bounds = array<i64: 2000, 128>}, {pipeline_mode = #tpu.pipeline_mode<synchronous>, transform_indices = @transform_5, window_bounds = array<i64: 1, 128>}, {pipeline_mode = #tpu.pipeline_mode<synchronous>, transform_indices = @transform_6, window_bounds = array<i64: 64, 1>}, {pipeline_mode = #tpu.pipeline_mode<synchronous>, transform_indices = @transform_7, window_bounds = array<i64: 1, 1>}, {transform_indices = @transform_8, window_bounds = array<i64: 2000, 1>}]} {
    %get3A = arith.constant 0 : index
    %get3A_0 = arith.constant 0 : index
    %get3A_1 = vector.load %arg4[%get3A, %get3A_0] : memref<2000x128xf32, #tpu.memory_space<vmem>>, vector<2000x128xf32>
    %slice3A = vector.extract_strided_slice %get3A_1 {offsets = [0, 0], sizes = [2000, 1], strides = [1, 1]} : vector<2000x128xf32> to vector<2000x1xf32>
    %get3A_2 = arith.constant 0 : index
    %get3A_3 = arith.constant 0 : index
    %get3A_4 = vector.load %arg5[%get3A_2, %get3A_3] : memref<2000x128xf32, #tpu.memory_space<vmem>>, vector<2000x128xf32>
    %slice3A_5 = vector.extract_strided_slice %get3A_4 {offsets = [0, 0], sizes = [2000, 1], strides = [1, 1]} : vector<2000x128xf32> to vector<2000x1xf32>
    %add3A = arith.addf %slice3A, %slice3A_5 : vector<2000x1xf32>
    %add3A_6 = arith.constant 1.000000e+00 : f32
    %add3A_7 = vector.broadcast %add3A_6 : f32 to vector<2000x1xf32>
    %add3A_8 = arith.addf %add3A, %add3A_7 : vector<2000x1xf32>
    %rsqrt3A = math.rsqrt %add3A_8 : vector<2000x1xf32>
    %get3A_9 = arith.constant 0 : index
    %get3A_10 = arith.constant 0 : index
    %get3A_11 = vector.load %arg1[%get3A_9, %get3A_10] : memref<2000x128xf32, #tpu.memory_space<vmem>>, vector<2000x128xf32>
    %get3A_12 = arith.constant 0 : index
    %get3A_13 = arith.constant 0 : index
    %get3A_14 = vector.load %arg2[%get3A_12, %get3A_13] : memref<2000x128xf32, #tpu.memory_space<vmem>>, vector<2000x128xf32>
    %add3A_15 = arith.addf %get3A_11, %get3A_14 : vector<2000x128xf32>
    %get3A_16 = arith.constant 0 : index
    %get3A_17 = arith.constant 0 : index
    %get3A_18 = vector.load %arg3[%get3A_16, %get3A_17] : memref<2000x128xf32, #tpu.memory_space<vmem>>, vector<2000x128xf32>
    %add3A_19 = arith.addf %add3A_15, %get3A_18 : vector<2000x128xf32>
    %mul3A = vector.broadcast %rsqrt3A : vector<2000x1xf32> to vector<2000x128xf32>
    %mul3A_20 = arith.mulf %mul3A, %add3A_19 : vector<2000x128xf32>
    %get3A_21 = arith.constant 0 : index
    %get3A_22 = arith.constant 0 : index
    %get3A_23 = vector.load %arg6[%get3A_21, %get3A_22] : memref<1x128xf32, #tpu.memory_space<vmem>>, vector<1x128xf32>
    %add3A_24 = vector.broadcast %get3A_23 : vector<1x128xf32> to vector<2000x128xf32>
    %add3A_25 = arith.addf %mul3A_20, %add3A_24 : vector<2000x128xf32>
    %max3A = arith.constant 0.000000e+00 : f32
    %max3A_26 = vector.broadcast %max3A : f32 to vector<2000x128xf32>
    %max3A_27 = arith.maximumf %add3A_25, %max3A_26 : vector<2000x128xf32>
    %slice3A_28 = vector.extract_strided_slice %max3A_27 {offsets = [0, 0], sizes = [2000, 64], strides = [1, 1]} : vector<2000x128xf32> to vector<2000x64xf32>
    %get3A_29 = arith.constant 0 : index
    %get3A_30 = arith.constant 0 : index
    %get3A_31 = vector.load %arg7[%get3A_29, %get3A_30] : memref<64x1xf32, #tpu.memory_space<vmem>>, vector<64x1xf32>
    %dot_general3A = arith.constant dense<0.000000e+00> : vector<2000x1xf32>
    %dot_general3A_32 = tpu.matmul %slice3A_28, %get3A_31, %dot_general3A {dimension_numbers = #tpu.dot_dimension_numbers<[1], [0], [0], [1], [0, 0, 1, 1], [], []>, transpose_lhs_hint = false} : vector<2000x64xf32>, vector<64x1xf32>, vector<2000x1xf32> -> vector<2000x1xf32>
    %get3A_33 = arith.constant 0 : index
    %get3A_34 = arith.constant 0 : index
    %get3A_35 = vector.load %arg8[%get3A_33, %get3A_34] : memref<1x1xf32, #tpu.memory_space<vmem>>, vector<1x1xf32>
    %add3A_36 = vector.broadcast %get3A_35 : vector<1x1xf32> to vector<2000x1xf32>
    %add3A_37 = arith.addf %dot_general3A_32, %add3A_36 : vector<2000x1xf32>
    %swap3A = arith.constant 0 : index
    %swap3A_38 = arith.constant 0 : index
    %swap3A_39 = vector.load %arg9[%swap3A, %swap3A_38] : memref<2000x1xf32, #tpu.memory_space<vmem>>, vector<2000x1xf32>
    tpu.vector_store %arg9[%swap3A, %swap3A_38], %add3A_37 {strides = array<i32>} : memref<2000x1xf32, #tpu.memory_space<vmem>>, vector<2000x1xf32>,
    return
  }
  func.func @transform_0(%arg0: i32) -> (i32, i32) {
    %c0_i32 = arith.constant 0 : i32
    %c0_i32_0 = arith.constant 0 : i32
    return %arg0, %c0_i32 : i32, i32
  }
  func.func @transform_1(%arg0: i32) -> (i32, i32) {
    %c0_i32 = arith.constant 0 : i32
    %c0_i32_0 = arith.constant 0 : i32
    return %arg0, %c0_i32 : i32, i32
  }
  func.func @transform_2(%arg0: i32) -> (i32, i32) {
    %c0_i32 = arith.constant 0 : i32
    %c0_i32_0 = arith.constant 0 : i32
    return %arg0, %c0_i32 : i32, i32
  }
  func.func @transform_3(%arg0: i32) -> (i32, i32) {
    %c0_i32 = arith.constant 0 : i32
    %c0_i32_0 = arith.constant 0 : i32
    return %arg0, %c0_i32 : i32, i32
  }
  func.func @transform_4(%arg0: i32) -> (i32, i32) {
    %c0_i32 = arith.constant 0 : i32
    %c0_i32_0 = arith.constant 0 : i32
    return %arg0, %c0_i32 : i32, i32
  }
  func.func @transform_5(%arg0: i32) -> (i32, i32) {
    %c0_i32 = arith.constant 0 : i32
    %c0_i32_0 = arith.constant 0 : i32
    %c0_i32_1 = arith.constant 0 : i32
    return %c0_i32, %c0_i32_0 : i32, i32
  }
  func.func @transform_6(%arg0: i32) -> (i32, i32) {
    %c0_i32 = arith.constant 0 : i32
    %c0_i32_0 = arith.constant 0 : i32
    %c0_i32_1 = arith.constant 0 : i32
    return %c0_i32, %c0_i32_0 : i32, i32
  }
  func.func @transform_7(%arg0: i32) -> (i32, i32) {
    %c0_i32 = arith.constant 0 : i32
    %c0_i32_0 = arith.constant 0 : i32
    %c0_i32_1 = arith.constant 0 : i32
    return %c0_i32, %c0_i32_0 : i32, i32
  }
  func.func @transform_8(%arg0: i32) -> (i32, i32) {
    %c0_i32 = arith.constant 0 : i32
    %c0_i32_0 = arith.constant 0 : i32
    return %arg0, %c0_i32 : i32, i32
  }
}

</mosaic_0001>

<sc_bundles>
// kernel: kernel.11.cloned.1.call-start
scs
__scs_entry_jumppad:
0x0: {  	(pc) =	sbr.rel $0x88, $3  }
0x1: {  	(tag) =	ssettag $0x0;
	lr =	simm.s32 $0x1  }
0x2: {  	[smem:$0x3F97] =	sst lr;
	_ =	strace $0xD0000000  }
0x3: {  	_ = 	snop  }
0x4: {  	_ = 	snop  }
0x5: {  	_ = 	snop  }
0x6: {  	_ = 	snop  }
0x7: {  	_ = 	snop  }
__scs_overlays_trampoline_lowered:
0x8: {  	[smem:$0x3FA6] =	sst s0  }
0x9: {  	[smem:$0x3FA7] =	sst s1  }
0xa: {  	[smem:$0x3FA8] =	sst s2  }
0xb: {  	[smem:$0x3FA9] =	sst s3  }
0xc: {  	[smem:$0x3FAA] =	sst s4  }
0xd: {  	[smem:$0x3FAB] =	sst s5  }
0xe: {  	[smem:$0x3FAC] =	sst s6  }
0xf: {  	[smem:$0x3FAD] =	sst s7  }
0x10: {  	[smem:$0x3FAE] =	sst s8  }
0x11: {  	[smem:$0x3FAF] =	sst s9;
	s0 =	simm.s32 @!p0 $0x0  }
0x12: {  	s1 =	sld [smem:$0x3F95];
	s0 =	simm.s32 @p0 $0x1  }
0x13: {  	[smem:$0x3FB0] =	sst s0;
	s0 =	simm.s32 @!p1 $0x0  }
0x14: {  	s2 =	sld [smem:$0x3F94];
	s0 =	simm.s32 @p1 $0x1  }
0x15: {  	[smem:$0x3FB1] =	sst s0;
	s0 =	simm.s32 @!p2 $0x0  }
0x16: {  	s3 =	sld [smem:$0x3FDB];
	s0 =	simm.s32 @p2 $0x1  }
0x17: {  	s4 =	simm.s32 $0x1BF5;
	[smem:$0x3FB3] =	sst s0  }
0x18: {  	s0 =	sld [smem:$0x3F96];
	_ =	swait.ge [sflag:s4], $0x0  }
0x19: {  	s7 =	sld [smem:$0x3F97]  }
0x1a: {  	s8 =	sadd.s32 $0xFFFFE003, lr  }
0x1b: {  	s9 =	sadd.s32 $0xFFFFFEF7, lr;
	s5 =	simm.s32 $0xFFFFFFFF;
	p2 =	slt.u32 s8, $0xFFFFF086  }
0x1c: {  	p1 =	slt.u32 s9, $0xF7A;
	s5 =	simm.s32 @!p2 $0x0  }
0x1d: {  	s5 =	simm.s32 @p1 $0x1;
	p0 =	seq.s32 s7, s2  }
0x1e: {  	s7 =	smul.u32 @!p0 $0xF7A, s2;
	p2 =	seq.s32 @!p0 s5, $0x0  }
0x1f: {  	s9 =	smul.u32 $0xF7A, s1;
	s8 =	simm.s32 @!p0 $0x1BF5;
	p2 =	por !p2, p0  }
0x20: {  	[sflag:s8] =	ssyncset.s32 @!p0 $0xFFFFF086;
	s6 =	sadd.s32 @!p0 s3, s7;
	s7 =	simm.s32 @!p0 $0x108  }
0x21: {  	s3 =	sadd.s32 s3, s9;
	s6 =	sadd.s32 @!p0 $0x88, s6;
	s7 =	simm.s32 @p2 $0x1082  }
0x22: {  	[simem:s7], [sflag:s8] =	dma.local @!p0 [hbm:s6], $0xF7A  }
0x23: {  	s9 =	sor.u32 $0xD0000000, s2;
	s6 =	simm.s32 $0x108;
	_ =	swait.ge @!p0 [sflag:s8], $0x0  }
0x24: {  	s3 =	sadd.s32 $0x88, s3;
	s6 =	simm.s32 @!p1 $0x1082;
	[sflag:s4] =	ssyncset.s32 $0xFFFFF086  }
0x25: {  	[simem:s6], [sflag:s4] =	dma.local [hbm:s3], $0xF7A  }
0x26: {  	[smem:$0x3F97] =	sst s1;
	(tag) =	ssettag s2;
	_ =	strace s9  }
0x27: {  	s1 =	sld [smem:$0x3FA7]  }
0x28: {  	s2 =	sld [smem:$0x3FA8]  }
0x29: {  	s4 =	sld [smem:$0x3FAA]  }
0x2a: {  	p0 =	seq.s32 s5, $0x0;
	s5 =	sld [smem:$0x3FAB]  }
0x2b: {  	s6 =	sld [smem:$0x3FAC]  }
0x2c: {  	s7 =	sld [smem:$0x3FAD]  }
0x2d: {  	s3 =	simm.s32 $0x108;
	s8 =	sld [smem:$0x3FAE]  }
0x2e: {  	s3 =	simm.s32 @!p0 $0x1082;
	s9 =	sld [smem:$0x3FAF]  }
0x2f: {  	lr =	sadd.s32 s0, s3;
	s0 =	sld [smem:$0x3FA6]  }
0x30: {  	s3 =	sld [smem:$0x3FA9]  }
0x31: {  	[smem:$0x3FB2] =	sst s10  }
0x32: {  	s10 =	sld [smem:$0x3FB0];
	_ =	sdelay $0x3  }
0x33: {  	p0 =	seq.s32 s10, $0x1;
	s10 =	sld [smem:$0x3FB2];
	_ =	sdelay $0x3  }
0x34: {  	[smem:$0x3FB2] =	sst s10  }
0x35: {  	s10 =	sld [smem:$0x3FB1];
	_ =	sdelay $0x3  }
0x36: {  	p1 =	seq.s32 s10, $0x1;
	s10 =	sld [smem:$0x3FB2];
	_ =	sdelay $0x3  }
0x37: {  	[smem:$0x3FB2] =	sst s10  }
0x38: {  	s10 =	sld [smem:$0x3FB3]  }
0x39: {  	_ = 	snop;
	(pc) =	sbr.ind lr, $3  }
0x3a: {  	_ = 	snop  }
0x3b: {  	_ = 	snop  }
0x3c: {  	p2 =	seq.s32 s10, $0x1;
	s10 =	sld [smem:$0x3FB2]  }
0x3d: {  	_ =	shalt  }
0x3e: {  	_ =	shalt  }
0x3f: {  	_ =	shalt  }
0x40: {  	_ =	shalt  }
0x41: {  	_ =	shalt  }
0x42: {  	_ =	shalt  }
0x43: {  	_ =	shalt  }
0x44: {  	_ =	shalt  }
0x45: {  	_ =	shalt  }
0x46: {  	_ =	shalt  }
0x47: {  	_ =	shalt  }
0x48: {  	_ =	shalt  }
0x49: {  	_ =	shalt  }
0x4a: {  	_ =	shalt  }
0x4b: {  	_ =	shalt  }
0x4c: {  	_ =	shalt  }
0x4d: {  	_ =	shalt  }
0x4e: {  	_ =	shalt  }
0x4f: {  	_ =	shalt  }
0x50: {  	_ =	shalt  }
0x51: {  	_ =	shalt  }
0x52: {  	_ =	shalt  }
0x53: {  	_ =	shalt  }
0x54: {  	_ =	shalt  }
0x55: {  	_ =	shalt  }
0x56: {  	_ =	shalt  }
0x57: {  	_ =	shalt  }
0x58: {  	_ =	shalt  }
0x59: {  	_ =	shalt  }
0x5a: {  	_ =	shalt  }
0x5b: {  	_ =	shalt  }
0x5c: {  	_ =	shalt  }
0x5d: {  	_ =	shalt  }
0x5e: {  	_ =	shalt  }
0x5f: {  	_ =	shalt  }
0x60: {  	_ =	shalt  }
0x61: {  	_ =	shalt  }
0x62: {  	_ =	shalt  }
0x63: {  	_ =	shalt  }
0x64: {  	_ =	shalt  }
0x65: {  	_ =	shalt  }
0x66: {  	_ =	shalt  }
0x67: {  	_ =	shalt  }
0x68: {  	_ =	shalt  }
0x69: {  	_ =	shalt  }
0x6a: {  	_ =	shalt  }
0x6b: {  	_ =	shalt  }
0x6c: {  	_ =	shalt  }
0x6d: {  	_ =	shalt  }
0x6e: {  	_ =	shalt  }
0x6f: {  	_ =	shalt  }
0x70: {  	_ =	shalt  }
0x71: {  	_ =	shalt  }
0x72: {  	_ =	shalt  }
0x73: {  	_ =	shalt  }
0x74: {  	_ =	shalt  }
0x75: {  	_ =	shalt  }
0x76: {  	_ =	shalt  }
0x77: {  	_ =	shalt  }
0x78: {  	_ =	shalt  }
0x79: {  	_ =	shalt  }
0x7a: {  	_ =	shalt  }
0x7b: {  	_ =	shalt  }
0x7c: {  	_ =	shalt  }
0x7d: {  	_ =	shalt  }
0x7e: {  	_ =	shalt  }
0x7f: {  	_ =	shalt  }
0x80: {  	_ =	shalt  }
0x81: {  	_ =	shalt  }
0x82: {  	_ =	shalt  }
0x83: {  	_ =	shalt  }
0x84: {  	_ =	shalt  }
0x85: {  	_ =	shalt  }
0x86: {  	_ =	shalt  }
0x87: {  	_ =	shalt  }
.Lfunc_end0:
.L_simem_size_0:
called_computation_lowered:
.L_overlay_start_0:
0x88: {  	s2 =	sld [smem:$0x3FD9]  }
0x89: {  	s3 =	sld [smem:$0x3FFE];
	_ =	sdelay $0x1  }
0x8a: {  	s1 =	srdreg.scid  }
0x8b: {  	s0 =	sand.u32 $0x1, s1  }
0x8c: {  	s16 =	sshll.u32 s0, $0xA;
	s2 =	sadd.s32 s3, s2  }
0x8d: {  	s2 =	sadd.s32 s2, s16  }
0x8e: {  	[smem:$0x3FBE] =	sst s2  }
0x8f: {  	_ = 	snop  }
0x90: {  	(tm) =	ssettm $0x1  }
0x91: {  	s17 =	sld [smem:$0x3FFB];
	_ =	sdelay $0x3  }
0x92: {  	_ =	strace s17  }
0x93: {  	s2 =	sld [smem:$0x3FFC];
	_ =	sdelay $0x3  }
0x94: {  	_ =	strace s2  }
0x95: {  	s2 =	sld [smem:$0x3FFD];
	_ =	sdelay $0x3  }
0x96: {  	_ =	strace s2  }
0x97: {  	_ =	strace $0x8FFFFFFF  }
0x98: {  	s18 =	sld [smem:$0x3FDB];
	_ =	sdelay $0x1  }
0x99: {  	s19 =	simm.s32 $_scs_section_size  }
0x9a: {  	s4 =	simm.s32 $_size__tile_overlayer_lowered;
	s5 =	simm.s32 $_tile_overlayer_lowered  }
0x9b: {  	s22 =	simm.s32 $0x1BFF;
	s21 =	sshll.u32 s5, $0x1;
	s2 =	sadd.s32 s19, s18  }
0x9c: {  	s6 =	simm.s32 $0x0;
	s20 =	sshll.u32 s4, $0x1;
	s4 =	sadd.s32 s21, s2  }
0x9d: {  	[timem:s6], [sflag:s22] =	dma.local [hbm:s4], s20  }
0x9e: {  	_ =	swait.ge [sflag:s22], s20  }
0x9f: {  	s3 =	ssub.s32 $0x0, s20;
	[sflag:s22] =	ssyncset.done $0x0  }
0xa0: {  	[sflag:s22] =	ssyncadd.s32 s3;
	_ =	sdelay $0x1  }
0xa1: {  	s23 =	simm.s32 $0x1B8B  }
0xa2: {  	_ =	swait.ge [sflag:s23], $0x1  }
0xa3: {  	[sflag:s23] =	ssyncset.done $0x0  }
0xa4: {  	s25 =	simm.s32 $0x1B8E;
	s24 =	sld [smem:$0x3FFE];
	[sflag:s23] =	ssyncadd.s32 $0xFFFFFFFF  }
0xa5: {  	s26 =	simm.s32 $execute0_lowered;
	[smem:$0x3FD2] =	sst s25  }
0xa6: {  	s4 =	sshll.u32 s26, $0x1;
	_ =	strace $0x80000046;
	[dreg:$0x1] =	wrdreg $0xFFFFFFFF  }
0xa7: {  	s28 =	simm.s32 $_size_execute0_lowered;
	s2 =	sadd.s32 s2, s4;
	[dreg:$0x0] =	wrdreg $0x0  }
0xa8: {  	s4 =	sshll.u32 s28, $0x1;
	[dreg:$0x2] =	wrdreg s2  }
0xa9: {  	[dreg:$0x3] =	wrdreg s4  }
0xaa: {  	[dreg:$0x4] =	wrdreg $0xC0  }
0xab: {  	_ =	task [dreg:s6], $0x5FFFF  }
0xac: {  	[dreg:$0x1] =	wrdreg $0xFFFFFFFF  }
0xad: {  	[dreg:$0x0] =	wrdreg $0x60  }
0xae: {  	[dreg:$0x2] =	wrdreg s24  }
0xaf: {  	[dreg:$0x3] =	wrdreg $0x68000  }
0xb0: {  	[dreg:$0x4] =	wrdreg $0x9  }
0xb1: {  	_ =	task.clear_ibuf [dreg:s6], $0x5FFFF;
	_ =	strace $0x90000046  }
0xb2: {  	s29 =	simm.s32 $0x9;
	_ =	strace $0x80000048  }
0xb3: {  	_ =	swait.ge [sflag:s29], $0x1  }
0xb4: {  	[sflag:s29] =	ssyncadd.s32 $0xFFFFFFFF  }
0xb5: {  	_ =	strace $0x90000048  }
0xb6: {  	_ =	sfence  }
0xb7: {  	s30 =	sld [smem:$0x0];
	_ =	sdelay $0x2  }
0xb8: {  	s31 =	sshll.u32 s1, $0xD;
	s1 =	sshrl.u32 s1, $0x2  }
0xb9: {  	s3 =	sand.u32 $0x4000, s31;
	s1 =	sadd.s32 s1, s30  }
0xba: {  	s0 =	sor.u32 s3, s0;
	s1 =	sshll.u32 s1, $0x11  }
0xbb: {  	s0 =	sor.u32 s1, s0  }
0xbc: {  	s0 =	sadd.s32 $0x8F2B, s0  }
0xbd: {  	[sflag:s0] =	ssyncadd.remote.s32 $0x1  }
0xbe: {  	_ =	sfence.sel $0xFFFF  }
0xbf: {  	[dreg:$0x0] =	wrdreg $0xFFFFFFFF;
	(pc) =	sbr.abs _section_cstart, $3  }
0xc0: {  	[dreg:$0x1] =	wrdreg $0xFFFFFFFF  }
0xc1: {  	_ =	task.clear_ibuf [dreg:s6], $0x2FFFF;
	_ =	strace $0x9FFFFFFF  }
0xc2: {  	(tm) =	ssettm $0x7FFFFFFF  }
0xc3: {  	_ =	shalt  }
tec
execute0_lowered:
.L_overlay_start_1:
0x0: {  	(tag) =	ssettag $0x1  }
0x1: {  	s7 =	rddreg [dreg:$0x0]  }
0x2: {  	s0 =	srdreg.scid;
	s2 =	rddreg [dreg:$0x1]  }
0x3: {  	s3 =	simm.s32 $0x0;
	s12 =	simm.s32 $0x2800;
	s6 =	sand.u32 $0x1, s0  }
0x4: {  	s13 =	simm.s32 $0x7D;
	s0 =	stileid.u32;
	s5 =	smul.u32 $0x140000, s6  }
0x5: {  	s14 =	simm.s32 $0x0;
	[smem:$0x7FF] =	sst s3;
	s8 =	smul.u32 $0x14000, s0  }
0x6: {  	s1 =	sshll.u32 s6, $0x4;
	s10 =	smul.u32 $0x50000, s0;
	s6 =	ssub.s32 $0x2, s6  }
0x7: {  	s31 =	sshll.u32 s0, $0x6;
	s1 =	sor.u32 s0, s1;
	s30 =	sshrl.u32 s6, $0x1  }
0x8: {  	s4 =	smul.u32 $0x500, s1;
	s1 =	rddreg [dreg:$0x2];
	_ =	strace $0x80000047  }
0x9: {  	s8 =	sadd.s32 s8, s5;
	s5 =	sadd.s32 $0xF600, s7;
	s10 =	sshrl.u32 s10, $0x2  }
0xa: {  	s11 =	ssub.s32 s6, s30;
	s6 =	sor.u32 $0x1C01, s31;
	s8 =	sshrl.u32 s8, $0x3  }
0xb: {  	s10 =	sadd.s32 s10, s2;
	s9 =	sadd.s32 s4, s7;
	s4 =	sadd.s32 $0x11E00, s7  }
0xc: {  	s8 =	sadd.s32 s8, s7;
	s10 =	sshrl.u32 s10, $0x3;
	s7 =	sadd.s32 $0x5600, s9  }
0xd: {  	s8 =	sadd.s32 $0x12600, s8;
	s9 =	smax.u32 s11, $0x1;
	s11 =	simm.s32 $0x1  }
.LBB2_1:
0xe: {  	[spmem:s10], [sflag:s6] =	dma.local [hbm:s5], $0x2800  }
0xf: {  	_ =	swait.ge [sflag:s11], $0x2800  }
0x10: {  	[sflag:s11] =	ssyncset.done $0x0  }
0x11: {  	[sflag:s11] =	ssyncadd.s32 $0xFFFFD800  }
0x12: {  	[tilespmem:s3], [sflag:$0x1] =	stream.linear.gather [hbm4b:s7+s3], $0x2800, $0x38;
	[tilespmem:$0x1A800] =	vst v63  }
0x13: {  	_ =	swait.ge [sflag:s11], $0x2800  }
0x14: {  	[sflag:s11] =	ssyncset.done $0x0  }
0x15: {  	[sflag:s11] =	ssyncadd.s32 $0xFFFFD800  }
0x16: {  	[tilespmem:s12], [sflag:$0x1] =	stream.linear.gather [hbm4b:s4+s3], $0x3E80, $0x38;
	[tilespmem:$0x1A800] =	vst v63  }
0x17: {  	_ =	swait.ge [sflag:s11], $0x3E80  }
0x18: {  	[sflag:s11] =	ssyncset.done $0x0  }
0x19: {  	[sflag:s11] =	ssyncadd.s32 $0xFFFFC180  }
0x1a: {  	s15 =	simm.s32 $0x0;
	[bflag:$0x0] =	sbarrier.arrive $0xFFFF  }
0x1b: {  	[spmem:s2] =	stream.indirect.scatter.add.f32 [tilespmem:s12], [sflag:$0x1], $0x80, s15, s13, $0xb8;
	[tilespmem:$0x1A800] =	vst v63  }
0x1c: {  	_ =	swait.ge [sflag:s11], $0x3E80  }
0x1d: {  	s15 =	simm.s32 $0x200;
	[sflag:s11] =	ssyncset.done $0x0  }
.LBB2_2:
0x1e: {  	s16 =	sshra.s32 s15, $0x2;
	[sflag:s11] =	ssyncadd.s32 $0xFFFFC180;
	p0 =	sne.s32 s15, $0x9E00  }
0x1f: {  	[spmem:s2] =	stream.indirect.scatter.add.f32 [tilespmem:s12], [sflag:$0x1], $0x80, s16, s13, $0xb8;
	[tilespmem:$0x1A800] =	vst v63  }
.Ltmp0:
0x20: {  	_ = 	snop;
	(pc) =	sbr.rel @p0 .LBB2_2-.Ltmp0, $4  }
0x21: {  	_ = 	snop  }
0x22: {  	s15 =	sadd.s32 $0x200, s15  }
0x23: {  	_ =	swait.ge [sflag:s11], $0x3E80  }
0x24: {  	[sflag:s11] =	ssyncset.done $0x0  }
0x25: {  	s14 =	sadd.s32 $0x1, s14  }
0x26: {  	[sflag:s11] =	ssyncadd.s32 $0xFFFFC180;
	p0 =	sne.s32 s14, s9  }
.Ltmp1:
0x27: {  	[bflag:$0x0] =	sbarrier.arrive $0xFFFF;
	(pc) =	sbr.rel @p0 .LBB2_1-.Ltmp1, $4  }
0x28: {  	[hbm:s8], [sflag:s6] =	dma.local [spmem:s10], $0x2800  }
0x29: {  	_ =	swait.ge [sflag:s11], $0x2800  }
0x2a: {  	[sflag:s11] =	ssyncset.done $0x0  }
0x2b: {  	[sflag:s11] =	ssyncadd.s32 $0xFFFFD800  }
0x2c: {  	_ =	sfence.sel $0x180000  }
0x2d: {  	[bflag:$0x0] =	sbarrier.arrive $0xFFFF  }
0x2e: {  	p0 =	sne.s32 s0, $0x0;
	_ =	strace $0x90000047  }
0x2f: {  	s0 =	sadd.s32 @!p0 $0x100000, s1;
	[bflag:$0x2] =	sbarrier.arrive $0xFFFF  }
0x30: {  	[sflag:s0] =	ssyncadd.tile.s32 @!p0 $0x1;
	_ =	shalt  }
.Lfunc_end2:
_tile_overlayer_lowered:
.L_overlay_start_2:
0x31: {  	(tag) =	ssettag $0x2  }
0x32: {  	s0 =	rddreg [dreg:$0x0];
	s2 =	stileid.u32  }
0x33: {  	s1 =	rddreg [dreg:$0x1];
	p0 =	sne.s32 s2, $0x0  }
0x34: {  	s3 =	rddreg [dreg:$0x2];
	[bflag:$0x3] =	sbarrier.arrive $0xFFFF;
	s2 =	simm.s32 @!p0 $0x1C01  }
0x35: {  	[timem:s3], [sflag:s2] =	dma.local @!p0 [hbm:s0], s1  }
0x36: {  	s0 =	simm.s32 @!p0 $0x1  }
0x37: {  	_ =	swait.ge @!p0 [sflag:s0], s1  }
0x38: {  	s1 =	ssub.s32 @!p0 $0x0, s1;
	[sflag:s0] =	ssyncset.done @!p0 $0x0  }
0x39: {  	[sflag:s0] =	ssyncadd.s32 @!p0 s1  }
0x3a: {  	[bflag:$0x3] =	sbarrier.arrive $0xFFFF  }
0x3b: {  	_ =	shalt  }

// kernel: kernel.14.cloned.1.call-start
scs
__scs_entry_jumppad:
0x0: {  	(pc) =	sbr.rel $0x88, $3  }
0x1: {  	(tag) =	ssettag $0x0;
	lr =	simm.s32 $0x1  }
0x2: {  	[smem:$0x3F97] =	sst lr;
	_ =	strace $0xD0000000  }
0x3: {  	_ = 	snop  }
0x4: {  	_ = 	snop  }
0x5: {  	_ = 	snop  }
0x6: {  	_ = 	snop  }
0x7: {  	_ = 	snop  }
__scs_overlays_trampoline_lowered:
0x8: {  	[smem:$0x3FA6] =	sst s0  }
0x9: {  	[smem:$0x3FA7] =	sst s1  }
0xa: {  	[smem:$0x3FA8] =	sst s2  }
0xb: {  	[smem:$0x3FA9] =	sst s3  }
0xc: {  	[smem:$0x3FAA] =	sst s4  }
0xd: {  	[smem:$0x3FAB] =	sst s5  }
0xe: {  	[smem:$0x3FAC] =	sst s6  }
0xf: {  	[smem:$0x3FAD] =	sst s7  }
0x10: {  	[smem:$0x3FAE] =	sst s8  }
0x11: {  	[smem:$0x3FAF] =	sst s9;
	s0 =	simm.s32 @!p0 $0x0  }
0x12: {  	s1 =	sld [smem:$0x3F95];
	s0 =	simm.s32 @p0 $0x1  }
0x13: {  	[smem:$0x3FB0] =	sst s0;
	s0 =	simm.s32 @!p1 $0x0  }
0x14: {  	s2 =	sld [smem:$0x3F94];
	s0 =	simm.s32 @p1 $0x1  }
0x15: {  	[smem:$0x3FB1] =	sst s0;
	s0 =	simm.s32 @!p2 $0x0  }
0x16: {  	s3 =	sld [smem:$0x3FDB];
	s0 =	simm.s32 @p2 $0x1  }
0x17: {  	s4 =	simm.s32 $0x1BF5;
	[smem:$0x3FB3] =	sst s0  }
0x18: {  	s0 =	sld [smem:$0x3F96];
	_ =	swait.ge [sflag:s4], $0x0  }
0x19: {  	s7 =	sld [smem:$0x3F97]  }
0x1a: {  	s8 =	sadd.s32 $0xFFFFE003, lr  }
0x1b: {  	s9 =	sadd.s32 $0xFFFFFEF7, lr;
	s5 =	simm.s32 $0xFFFFFFFF;
	p2 =	slt.u32 s8, $0xFFFFF086  }
0x1c: {  	p1 =	slt.u32 s9, $0xF7A;
	s5 =	simm.s32 @!p2 $0x0  }
0x1d: {  	s5 =	simm.s32 @p1 $0x1;
	p0 =	seq.s32 s7, s2  }
0x1e: {  	s7 =	smul.u32 @!p0 $0xF7A, s2;
	p2 =	seq.s32 @!p0 s5, $0x0  }
0x1f: {  	s9 =	smul.u32 $0xF7A, s1;
	s8 =	simm.s32 @!p0 $0x1BF5;
	p2 =	por !p2, p0  }
0x20: {  	[sflag:s8] =	ssyncset.s32 @!p0 $0xFFFFF086;
	s6 =	sadd.s32 @!p0 s3, s7;
	s7 =	simm.s32 @!p0 $0x108  }
0x21: {  	s3 =	sadd.s32 s3, s9;
	s6 =	sadd.s32 @!p0 $0x88, s6;
	s7 =	simm.s32 @p2 $0x1082  }
0x22: {  	[simem:s7], [sflag:s8] =	dma.local @!p0 [hbm:s6], $0xF7A  }
0x23: {  	s9 =	sor.u32 $0xD0000000, s2;
	s6 =	simm.s32 $0x108;
	_ =	swait.ge @!p0 [sflag:s8], $0x0  }
0x24: {  	s3 =	sadd.s32 $0x88, s3;
	s6 =	simm.s32 @!p1 $0x1082;
	[sflag:s4] =	ssyncset.s32 $0xFFFFF086  }
0x25: {  	[simem:s6], [sflag:s4] =	dma.local [hbm:s3], $0xF7A  }
0x26: {  	[smem:$0x3F97] =	sst s1;
	(tag) =	ssettag s2;
	_ =	strace s9  }
0x27: {  	s1 =	sld [smem:$0x3FA7]  }
0x28: {  	s2 =	sld [smem:$0x3FA8]  }
0x29: {  	s4 =	sld [smem:$0x3FAA]  }
0x2a: {  	p0 =	seq.s32 s5, $0x0;
	s5 =	sld [smem:$0x3FAB]  }
0x2b: {  	s6 =	sld [smem:$0x3FAC]  }
0x2c: {  	s7 =	sld [smem:$0x3FAD]  }
0x2d: {  	s3 =	simm.s32 $0x108;
	s8 =	sld [smem:$0x3FAE]  }
0x2e: {  	s3 =	simm.s32 @!p0 $0x1082;
	s9 =	sld [smem:$0x3FAF]  }
0x2f: {  	lr =	sadd.s32 s0, s3;
	s0 =	sld [smem:$0x3FA6]  }
0x30: {  	s3 =	sld [smem:$0x3FA9]  }
0x31: {  	[smem:$0x3FB2] =	sst s10  }
0x32: {  	s10 =	sld [smem:$0x3FB0];
	_ =	sdelay $0x3  }
0x33: {  	p0 =	seq.s32 s10, $0x1;
	s10 =	sld [smem:$0x3FB2];
	_ =	sdelay $0x3  }
0x34: {  	[smem:$0x3FB2] =	sst s10  }
0x35: {  	s10 =	sld [smem:$0x3FB1];
	_ =	sdelay $0x3  }
0x36: {  	p1 =	seq.s32 s10, $0x1;
	s10 =	sld [smem:$0x3FB2];
	_ =	sdelay $0x3  }
0x37: {  	[smem:$0x3FB2] =	sst s10  }
0x38: {  	s10 =	sld [smem:$0x3FB3]  }
0x39: {  	_ = 	snop;
	(pc) =	sbr.ind lr, $3  }
0x3a: {  	_ = 	snop  }
0x3b: {  	_ = 	snop  }
0x3c: {  	p2 =	seq.s32 s10, $0x1;
	s10 =	sld [smem:$0x3FB2]  }
0x3d: {  	_ =	shalt  }
0x3e: {  	_ =	shalt  }
0x3f: {  	_ =	shalt  }
0x40: {  	_ =	shalt  }
0x41: {  	_ =	shalt  }
0x42: {  	_ =	shalt  }
0x43: {  	_ =	shalt  }
0x44: {  	_ =	shalt  }
0x45: {  	_ =	shalt  }
0x46: {  	_ =	shalt  }
0x47: {  	_ =	shalt  }
0x48: {  	_ =	shalt  }
0x49: {  	_ =	shalt  }
0x4a: {  	_ =	shalt  }
0x4b: {  	_ =	shalt  }
0x4c: {  	_ =	shalt  }
0x4d: {  	_ =	shalt  }
0x4e: {  	_ =	shalt  }
0x4f: {  	_ =	shalt  }
0x50: {  	_ =	shalt  }
0x51: {  	_ =	shalt  }
0x52: {  	_ =	shalt  }
0x53: {  	_ =	shalt  }
0x54: {  	_ =	shalt  }
0x55: {  	_ =	shalt  }
0x56: {  	_ =	shalt  }
0x57: {  	_ =	shalt  }
0x58: {  	_ =	shalt  }
0x59: {  	_ =	shalt  }
0x5a: {  	_ =	shalt  }
0x5b: {  	_ =	shalt  }
0x5c: {  	_ =	shalt  }
0x5d: {  	_ =	shalt  }
0x5e: {  	_ =	shalt  }
0x5f: {  	_ =	shalt  }
0x60: {  	_ =	shalt  }
0x61: {  	_ =	shalt  }
0x62: {  	_ =	shalt  }
0x63: {  	_ =	shalt  }
0x64: {  	_ =	shalt  }
0x65: {  	_ =	shalt  }
0x66: {  	_ =	shalt  }
0x67: {  	_ =	shalt  }
0x68: {  	_ =	shalt  }
0x69: {  	_ =	shalt  }
0x6a: {  	_ =	shalt  }
0x6b: {  	_ =	shalt  }
0x6c: {  	_ =	shalt  }
0x6d: {  	_ =	shalt  }
0x6e: {  	_ =	shalt  }
0x6f: {  	_ =	shalt  }
0x70: {  	_ =	shalt  }
0x71: {  	_ =	shalt  }
0x72: {  	_ =	shalt  }
0x73: {  	_ =	shalt  }
0x74: {  	_ =	shalt  }
0x75: {  	_ =	shalt  }
0x76: {  	_ =	shalt  }
0x77: {  	_ =	shalt  }
0x78: {  	_ =	shalt  }
0x79: {  	_ =	shalt  }
0x7a: {  	_ =	shalt  }
0x7b: {  	_ =	shalt  }
0x7c: {  	_ =	shalt  }
0x7d: {  	_ =	shalt  }
0x7e: {  	_ =	shalt  }
0x7f: {  	_ =	shalt  }
0x80: {  	_ =	shalt  }
0x81: {  	_ =	shalt  }
0x82: {  	_ =	shalt  }
0x83: {  	_ =	shalt  }
0x84: {  	_ =	shalt  }
0x85: {  	_ =	shalt  }
0x86: {  	_ =	shalt  }
0x87: {  	_ =	shalt  }
.Lfunc_end0:
.L_simem_size_0:
called_computation.1_lowered:
.L_overlay_start_0:
0x88: {  	s2 =	sld [smem:$0x3FD9]  }
0x89: {  	s3 =	sld [smem:$0x3FFE];
	_ =	sdelay $0x1  }
0x8a: {  	s1 =	srdreg.scid  }
0x8b: {  	s0 =	sand.u32 $0x1, s1  }
0x8c: {  	s16 =	sshll.u32 s0, $0xA;
	s2 =	sadd.s32 s3, s2  }
0x8d: {  	s2 =	sadd.s32 s2, s16  }
0x8e: {  	[smem:$0x3FBE] =	sst s2  }
0x8f: {  	_ = 	snop  }
0x90: {  	(tm) =	ssettm $0x1  }
0x91: {  	s17 =	sld [smem:$0x3FFB];
	_ =	sdelay $0x3  }
0x92: {  	_ =	strace s17  }
0x93: {  	s2 =	sld [smem:$0x3FFC];
	_ =	sdelay $0x3  }
0x94: {  	_ =	strace s2  }
0x95: {  	s2 =	sld [smem:$0x3FFD];
	_ =	sdelay $0x3  }
0x96: {  	_ =	strace s2  }
0x97: {  	_ =	strace $0x8FFFFFFF  }
0x98: {  	s18 =	sld [smem:$0x3FDB];
	_ =	sdelay $0x1  }
0x99: {  	s19 =	simm.s32 $_scs_section_size  }
0x9a: {  	s4 =	simm.s32 $_size__tile_overlayer_lowered;
	s5 =	simm.s32 $_tile_overlayer_lowered  }
0x9b: {  	s22 =	simm.s32 $0x1BFF;
	s21 =	sshll.u32 s5, $0x1;
	s2 =	sadd.s32 s19, s18  }
0x9c: {  	s6 =	simm.s32 $0x0;
	s20 =	sshll.u32 s4, $0x1;
	s4 =	sadd.s32 s21, s2  }
0x9d: {  	[timem:s6], [sflag:s22] =	dma.local [hbm:s4], s20  }
0x9e: {  	_ =	swait.ge [sflag:s22], s20  }
0x9f: {  	s3 =	ssub.s32 $0x0, s20;
	[sflag:s22] =	ssyncset.done $0x0  }
0xa0: {  	[sflag:s22] =	ssyncadd.s32 s3;
	_ =	sdelay $0x1  }
0xa1: {  	s23 =	simm.s32 $0x1B8B  }
0xa2: {  	_ =	swait.ge [sflag:s23], $0x1  }
0xa3: {  	[sflag:s23] =	ssyncset.done $0x0  }
0xa4: {  	s25 =	simm.s32 $0x1B8E;
	s24 =	sld [smem:$0x3FFE];
	[sflag:s23] =	ssyncadd.s32 $0xFFFFFFFF  }
0xa5: {  	s26 =	simm.s32 $execute0_lowered;
	[smem:$0x3FD2] =	sst s25  }
0xa6: {  	s4 =	sshll.u32 s26, $0x1;
	_ =	strace $0x80000049;
	[dreg:$0x1] =	wrdreg $0xFFFFFFFF  }
0xa7: {  	s28 =	simm.s32 $_size_execute0_lowered;
	s2 =	sadd.s32 s2, s4;
	[dreg:$0x0] =	wrdreg $0x0  }
0xa8: {  	s4 =	sshll.u32 s28, $0x1;
	[dreg:$0x2] =	wrdreg s2  }
0xa9: {  	[dreg:$0x3] =	wrdreg s4  }
0xaa: {  	[dreg:$0x4] =	wrdreg $0xC0  }
0xab: {  	_ =	task [dreg:s6], $0x5FFFF  }
0xac: {  	[dreg:$0x1] =	wrdreg $0xFFFFFFFF  }
0xad: {  	[dreg:$0x0] =	wrdreg $0x60  }
0xae: {  	[dreg:$0x2] =	wrdreg s24  }
0xaf: {  	[dreg:$0x3] =	wrdreg $0x90000  }
0xb0: {  	[dreg:$0x4] =	wrdreg $0x9  }
0xb1: {  	_ =	task.clear_ibuf [dreg:s6], $0x5FFFF;
	_ =	strace $0x90000049  }
0xb2: {  	s29 =	simm.s32 $0x9;
	_ =	strace $0x8000004B  }
0xb3: {  	_ =	swait.ge [sflag:s29], $0x1  }
0xb4: {  	[sflag:s29] =	ssyncadd.s32 $0xFFFFFFFF  }
0xb5: {  	_ =	strace $0x9000004B  }
0xb6: {  	_ =	sfence  }
0xb7: {  	s30 =	sld [smem:$0x0];
	_ =	sdelay $0x2  }
0xb8: {  	s31 =	sshll.u32 s1, $0xD;
	s1 =	sshrl.u32 s1, $0x2  }
0xb9: {  	s3 =	sand.u32 $0x4000, s31;
	s1 =	sadd.s32 s1, s30  }
0xba: {  	s0 =	sor.u32 s3, s0;
	s1 =	sshll.u32 s1, $0x11  }
0xbb: {  	s0 =	sor.u32 s1, s0  }
0xbc: {  	s0 =	sadd.s32 $0x8F2B, s0  }
0xbd: {  	[sflag:s0] =	ssyncadd.remote.s32 $0x1  }
0xbe: {  	_ =	sfence.sel $0xFFFF  }
0xbf: {  	[dreg:$0x0] =	wrdreg $0xFFFFFFFF;
	(pc) =	sbr.abs _section_cstart, $3  }
0xc0: {  	[dreg:$0x1] =	wrdreg $0xFFFFFFFF  }
0xc1: {  	_ =	task.clear_ibuf [dreg:s6], $0x2FFFF;
	_ =	strace $0x9FFFFFFF  }
0xc2: {  	(tm) =	ssettm $0x7FFFFFFF  }
0xc3: {  	_ =	shalt  }
tec
execute0_lowered:
.L_overlay_start_1:
0x0: {  	(tag) =	ssettag $0x1  }
0x1: {  	s0 =	srdreg.scid;
	s7 =	rddreg [dreg:$0x0]  }
0x2: {  	s2 =	rddreg [dreg:$0x1];
	s3 =	simm.s32 $0x0;
	s16 =	simm.s32 $0x7D  }
0x3: {  	s17 =	simm.s32 $0x5000;
	s18 =	simm.s32 $0x1;
	s6 =	sand.u32 $0x1, s0  }
0x4: {  	s19 =	simm.s32 $0x0;
	s0 =	stileid.u32;
	s9 =	smul.u32 $0x140000, s6  }
0x5: {  	[smem:$0x7FF] =	sst s3;
	s5 =	sadd.s32 $0x39000, s7;
	s10 =	smul.u32 $0x14000, s0  }
0x6: {  	s1 =	sshll.u32 s6, $0x4;
	s30 =	ssub.s32 $0x2, s6;
	s11 =	smul.u32 $0x50000, s0  }
0x7: {  	s6 =	sadd.s32 $0xF600, s7;
	s14 =	sshll.u32 s0, $0x6;
	s4 =	sor.u32 s0, s1  }
0x8: {  	s1 =	rddreg [dreg:$0x2];
	_ =	strace $0x8000004A;
	s12 =	sshrl.u32 s30, $0x1  }
0x9: {  	s14 =	sor.u32 $0x1C02, s14;
	s8 =	smul.u32 $0x500, s4;
	s4 =	sadd.s32 $0x11E00, s7  }
0xa: {  	s9 =	sadd.s32 s10, s9;
	s12 =	ssub.s32 s30, s12;
	s31 =	sshrl.u32 s11, $0x2  }
0xb: {  	s9 =	sshrl.u32 s9, $0x3;
	s15 =	sadd.s32 s31, s2;
	s11 =	smax.u32 s12, $0x1  }
0xc: {  	s12 =	simm.s32 $0x2;
	s8 =	sadd.s32 s8, s7;
	s13 =	sadd.s32 s9, s7  }
0xd: {  	s15 =	sshrl.u32 s15, $0x3;
	s7 =	sadd.s32 $0x62600, s8;
	s8 =	sadd.s32 $0x5600, s8  }
0xe: {  	s9 =	sadd.s32 $0xBC600, s13;
	s10 =	sadd.s32 $0x10C600, s13;
	s13 =	simm.s32 $0x2800  }
.LBB2_1:
0xf: {  	[tilespmem:s3], [sflag:$0x2] =	stream.linear.gather [hbm4b:s7+s3], $0x2800, $0x38;
	[tilespmem:$0x1D000] =	vst v63  }
0x10: {  	_ =	swait.ge [sflag:s12], $0x2800  }
0x11: {  	[sflag:s12] =	ssyncset.done $0x0  }
0x12: {  	[sflag:s12] =	ssyncadd.s32 $0xFFFFD800  }
0x13: {  	[tilespmem:s13], [sflag:$0x2] =	stream.linear.gather [hbm4b:s8+s3], $0x2800, $0x38;
	[tilespmem:$0x1D000] =	vst v63  }
0x14: {  	_ =	swait.ge [sflag:s12], $0x2800  }
0x15: {  	[sflag:s12] =	ssyncset.done $0x0  }
0x16: {  	[sflag:s12] =	ssyncadd.s32 $0xFFFFD800  }
0x17: {  	[spmem:s15], [sflag:s14] =	dma.local [hbm:s6], $0x2800  }
0x18: {  	_ =	swait.ge [sflag:s12], $0x2800  }
0x19: {  	[sflag:s12] =	ssyncset.done $0x0  }
0x1a: {  	[sflag:s12] =	ssyncadd.s32 $0xFFFFD800  }
0x1b: {  	s20 =	simm.s32 $0x0;
	[bflag:$0x0] =	sbarrier.arrive $0xFFFF  }
0x1c: {  	[tilespmem:s17], [sflag:$0x1] =	stream.indirect.gather [hbm4b:s4+s16], $0x80, s20, s16, $0xb8;
	[tilespmem:$0x1D000] =	vst v63  }
0x1d: {  	_ =	swait.ge [sflag:s18], $0x3E80  }
0x1e: {  	[sflag:s18] =	ssyncset.done $0x0  }
0x1f: {  	s31 =	simm.s32 $0x2800;
	[sflag:s18] =	ssyncadd.s32 $0xFFFFC180  }
0x20: {  	[spmem:s2] =	stream.indirect.scatter.add.f32 [tilespmem:s17], [sflag:$0x2], $0x80, s31, s16, $0xb8;
	[tilespmem:$0x1D000] =	vst v63  }
0x21: {  	_ =	swait.ge [sflag:s12], $0x3E80  }
0x22: {  	s21 =	simm.s32 $0x400;
	s20 =	simm.s32 $0x200;
	[sflag:s12] =	ssyncset.done $0x0  }
.LBB2_2:
0x23: {  	s22 =	sshra.s32 s20, $0x2  }
0x24: {  	[sflag:s12] =	ssyncadd.s32 $0xFFFFC180;
	s20 =	smov.u32 s21;
	s23 =	sadd.s32 $0x200, s21  }
0x25: {  	[tilespmem:s17], [sflag:$0x1] =	stream.indirect.gather [hbm4b:s4+s16], $0x80, s22, s16, $0xb8;
	[tilespmem:$0x1D000] =	vst v63  }
0x26: {  	p0 =	sne.s32 s21, $0x9E00;
	_ =	swait.ge [sflag:s18], $0x3E80  }
.Ltmp0:
0x27: {  	[sflag:s18] =	ssyncset.done $0x0;
	(pc) =	sbr.rel @p0 .LBB2_2-.Ltmp0, $4  }
0x28: {  	s21 =	sadd.s32 $0x2800, s22;
	[sflag:s18] =	ssyncadd.s32 $0xFFFFC180  }
0x29: {  	[spmem:s2] =	stream.indirect.scatter.add.f32 [tilespmem:s17], [sflag:$0x2], $0x80, s21, s16, $0xb8;
	[tilespmem:$0x1D000] =	vst v63  }
0x2a: {  	_ =	swait.ge [sflag:s12], $0x3E80  }
0x2b: {  	s21 =	smov.u32 s23;
	[sflag:s12] =	ssyncset.done $0x0  }
0x2c: {  	s20 =	sshra.s32 s20, $0x2;
	[sflag:s12] =	ssyncadd.s32 $0xFFFFC180  }
0x2d: {  	[tilespmem:s17], [sflag:$0x1] =	stream.indirect.gather [hbm4b:s4+s16], $0x80, s20, s16, $0xb8;
	[tilespmem:$0x1D000] =	vst v63  }
0x2e: {  	_ =	swait.ge [sflag:s18], $0x3E80  }
0x2f: {  	[sflag:s18] =	ssyncset.done $0x0  }
0x30: {  	s20 =	sadd.s32 $0x2800, s20;
	[sflag:s18] =	ssyncadd.s32 $0xFFFFC180  }
0x31: {  	[spmem:s2] =	stream.indirect.scatter.add.f32 [tilespmem:s17], [sflag:$0x2], $0x80, s20, s16, $0xb8;
	[tilespmem:$0x1D000] =	vst v63  }
0x32: {  	_ =	swait.ge [sflag:s12], $0x3E80  }
0x33: {  	[sflag:s12] =	ssyncset.done $0x0  }
0x34: {  	[sflag:s12] =	ssyncadd.s32 $0xFFFFC180  }
0x35: {  	[bflag:$0x0] =	sbarrier.arrive $0xFFFF  }
0x36: {  	[hbm:s9], [sflag:s14] =	dma.local [spmem:s15], $0x2800  }
0x37: {  	_ =	swait.ge [sflag:s12], $0x2800  }
0x38: {  	[sflag:s12] =	ssyncset.done $0x0  }
0x39: {  	[sflag:s12] =	ssyncadd.s32 $0xFFFFD800  }
0x3a: {  	[bflag:$0x0] =	sbarrier.arrive $0xFFFF  }
0x3b: {  	[spmem:s15], [sflag:s14] =	dma.local [hbm:s6], $0x2800  }
0x3c: {  	_ =	swait.ge [sflag:s12], $0x2800  }
0x3d: {  	[sflag:s12] =	ssyncset.done $0x0  }
0x3e: {  	[sflag:s12] =	ssyncadd.s32 $0xFFFFD800  }
0x3f: {  	s30 =	simm.s32 $0x0;
	[bflag:$0x0] =	sbarrier.arrive $0xFFFF  }
0x40: {  	[tilespmem:s17], [sflag:$0x1] =	stream.indirect.gather [hbm4b:s5+s16], $0x80, s30, s16, $0xb8;
	[tilespmem:$0x1D000] =	vst v63  }
0x41: {  	_ =	swait.ge [sflag:s18], $0x3E80  }
0x42: {  	[sflag:s18] =	ssyncset.done $0x0  }
0x43: {  	s31 =	simm.s32 $0x2800;
	[sflag:s18] =	ssyncadd.s32 $0xFFFFC180  }
0x44: {  	[spmem:s2] =	stream.indirect.scatter.add.f32 [tilespmem:s17], [sflag:$0x2], $0x80, s31, s16, $0xb8;
	[tilespmem:$0x1D000] =	vst v63  }
0x45: {  	_ =	swait.ge [sflag:s12], $0x3E80  }
0x46: {  	s21 =	simm.s32 $0x400;
	s20 =	simm.s32 $0x200;
	[sflag:s12] =	ssyncset.done $0x0  }
.LBB2_4:
0x47: {  	s22 =	sshra.s32 s20, $0x2  }
0x48: {  	[sflag:s12] =	ssyncadd.s32 $0xFFFFC180;
	s20 =	smov.u32 s21;
	s23 =	sadd.s32 $0x200, s21  }
0x49: {  	[tilespmem:s17], [sflag:$0x1] =	stream.indirect.gather [hbm4b:s5+s16], $0x80, s22, s16, $0xb8;
	[tilespmem:$0x1D000] =	vst v63  }
0x4a: {  	p0 =	sne.s32 s21, $0x9E00;
	_ =	swait.ge [sflag:s18], $0x3E80  }
.Ltmp1:
0x4b: {  	[sflag:s18] =	ssyncset.done $0x0;
	(pc) =	sbr.rel @p0 .LBB2_4-.Ltmp1, $4  }
0x4c: {  	s21 =	sadd.s32 $0x2800, s22;
	[sflag:s18] =	ssyncadd.s32 $0xFFFFC180  }
0x4d: {  	[spmem:s2] =	stream.indirect.scatter.add.f32 [tilespmem:s17], [sflag:$0x2], $0x80, s21, s16, $0xb8;
	[tilespmem:$0x1D000] =	vst v63  }
0x4e: {  	_ =	swait.ge [sflag:s12], $0x3E80  }
0x4f: {  	s21 =	smov.u32 s23;
	[sflag:s12] =	ssyncset.done $0x0  }
0x50: {  	s20 =	sshra.s32 s20, $0x2;
	[sflag:s12] =	ssyncadd.s32 $0xFFFFC180  }
0x51: {  	[tilespmem:s17], [sflag:$0x1] =	stream.indirect.gather [hbm4b:s5+s16], $0x80, s20, s16, $0xb8;
	[tilespmem:$0x1D000] =	vst v63  }
0x52: {  	_ =	swait.ge [sflag:s18], $0x3E80  }
0x53: {  	[sflag:s18] =	ssyncset.done $0x0  }
0x54: {  	s20 =	sadd.s32 $0x2800, s20;
	[sflag:s18] =	ssyncadd.s32 $0xFFFFC180  }
0x55: {  	[spmem:s2] =	stream.indirect.scatter.add.f32 [tilespmem:s17], [sflag:$0x2], $0x80, s20, s16, $0xb8;
	[tilespmem:$0x1D000] =	vst v63  }
0x56: {  	_ =	swait.ge [sflag:s12], $0x3E80  }
0x57: {  	[sflag:s12] =	ssyncset.done $0x0  }
0x58: {  	s19 =	sadd.s32 $0x1, s19;
	[sflag:s12] =	ssyncadd.s32 $0xFFFFC180  }
0x59: {  	p0 =	sne.s32 s19, s11;
	[bflag:$0x0] =	sbarrier.arrive $0xFFFF  }
0x5a: {  	[hbm:s10], [sflag:s14] =	dma.local [spmem:s15], $0x2800  }
.Ltmp2:
0x5b: {  	_ =	swait.ge [sflag:s12], $0x2800;
	(pc) =	sbr.rel @p0 .LBB2_1-.Ltmp2, $3  }
0x5c: {  	[sflag:s12] =	ssyncset.done $0x0  }
0x5d: {  	[sflag:s12] =	ssyncadd.s32 $0xFFFFD800  }
0x5e: {  	[bflag:$0x0] =	sbarrier.arrive $0xFFFF;
	_ =	sdelay $0x1  }
0x5f: {  	_ =	sfence.sel $0x180000  }
0x60: {  	[bflag:$0x0] =	sbarrier.arrive $0xFFFF  }
0x61: {  	p0 =	sne.s32 s0, $0x0;
	_ =	strace $0x9000004A  }
0x62: {  	s0 =	sadd.s32 @!p0 $0x100000, s1;
	[bflag:$0x2] =	sbarrier.arrive $0xFFFF  }
0x63: {  	[sflag:s0] =	ssyncadd.tile.s32 @!p0 $0x1;
	_ =	shalt  }
.Lfunc_end2:
_tile_overlayer_lowered:
.L_overlay_start_2:
0x64: {  	(tag) =	ssettag $0x2  }
0x65: {  	s0 =	rddreg [dreg:$0x0];
	s2 =	stileid.u32  }
0x66: {  	s1 =	rddreg [dreg:$0x1];
	p0 =	sne.s32 s2, $0x0  }
0x67: {  	s3 =	rddreg [dreg:$0x2];
	[bflag:$0x3] =	sbarrier.arrive $0xFFFF;
	s2 =	simm.s32 @!p0 $0x1C02  }
0x68: {  	[timem:s3], [sflag:s2] =	dma.local @!p0 [hbm:s0], s1  }
0x69: {  	s0 =	simm.s32 @!p0 $0x2  }
0x6a: {  	_ =	swait.ge @!p0 [sflag:s0], s1  }
0x6b: {  	s1 =	ssub.s32 @!p0 $0x0, s1;
	[sflag:s0] =	ssyncset.done @!p0 $0x0  }
0x6c: {  	[sflag:s0] =	ssyncadd.s32 @!p0 s1  }
0x6d: {  	[bflag:$0x3] =	sbarrier.arrive $0xFFFF  }
0x6e: {  	_ =	shalt  }

// kernel: kernel.17.cloned.1.call-start
scs
__scs_entry_jumppad:
0x0: {  	(pc) =	sbr.rel $0x88, $3  }
0x1: {  	(tag) =	ssettag $0x0;
	lr =	simm.s32 $0x1  }
0x2: {  	[smem:$0x3F97] =	sst lr;
	_ =	strace $0xD0000000  }
0x3: {  	_ = 	snop  }
0x4: {  	_ = 	snop  }
0x5: {  	_ = 	snop  }
0x6: {  	_ = 	snop  }
0x7: {  	_ = 	snop  }
__scs_overlays_trampoline_lowered:
0x8: {  	[smem:$0x3FA6] =	sst s0  }
0x9: {  	[smem:$0x3FA7] =	sst s1  }
0xa: {  	[smem:$0x3FA8] =	sst s2  }
0xb: {  	[smem:$0x3FA9] =	sst s3  }
0xc: {  	[smem:$0x3FAA] =	sst s4  }
0xd: {  	[smem:$0x3FAB] =	sst s5  }
0xe: {  	[smem:$0x3FAC] =	sst s6  }
0xf: {  	[smem:$0x3FAD] =	sst s7  }
0x10: {  	[smem:$0x3FAE] =	sst s8  }
0x11: {  	[smem:$0x3FAF] =	sst s9;
	s0 =	simm.s32 @!p0 $0x0  }
0x12: {  	s1 =	sld [smem:$0x3F95];
	s0 =	simm.s32 @p0 $0x1  }
0x13: {  	[smem:$0x3FB0] =	sst s0;
	s0 =	simm.s32 @!p1 $0x0  }
0x14: {  	s2 =	sld [smem:$0x3F94];
	s0 =	simm.s32 @p1 $0x1  }
0x15: {  	[smem:$0x3FB1] =	sst s0;
	s0 =	simm.s32 @!p2 $0x0  }
0x16: {  	s3 =	sld [smem:$0x3FDB];
	s0 =	simm.s32 @p2 $0x1  }
0x17: {  	s4 =	simm.s32 $0x1BF5;
	[smem:$0x3FB3] =	sst s0  }
0x18: {  	s0 =	sld [smem:$0x3F96];
	_ =	swait.ge [sflag:s4], $0x0  }
0x19: {  	s7 =	sld [smem:$0x3F97]  }
0x1a: {  	s8 =	sadd.s32 $0xFFFFE003, lr  }
0x1b: {  	s9 =	sadd.s32 $0xFFFFFEF7, lr;
	s5 =	simm.s32 $0xFFFFFFFF;
	p2 =	slt.u32 s8, $0xFFFFF086  }
0x1c: {  	p1 =	slt.u32 s9, $0xF7A;
	s5 =	simm.s32 @!p2 $0x0  }
0x1d: {  	s5 =	simm.s32 @p1 $0x1;
	p0 =	seq.s32 s7, s2  }
0x1e: {  	s7 =	smul.u32 @!p0 $0xF7A, s2;
	p2 =	seq.s32 @!p0 s5, $0x0  }
0x1f: {  	s9 =	smul.u32 $0xF7A, s1;
	s8 =	simm.s32 @!p0 $0x1BF5;
	p2 =	por !p2, p0  }
0x20: {  	[sflag:s8] =	ssyncset.s32 @!p0 $0xFFFFF086;
	s6 =	sadd.s32 @!p0 s3, s7;
	s7 =	simm.s32 @!p0 $0x108  }
0x21: {  	s3 =	sadd.s32 s3, s9;
	s6 =	sadd.s32 @!p0 $0x88, s6;
	s7 =	simm.s32 @p2 $0x1082  }
0x22: {  	[simem:s7], [sflag:s8] =	dma.local @!p0 [hbm:s6], $0xF7A  }
0x23: {  	s9 =	sor.u32 $0xD0000000, s2;
	s6 =	simm.s32 $0x108;
	_ =	swait.ge @!p0 [sflag:s8], $0x0  }
0x24: {  	s3 =	sadd.s32 $0x88, s3;
	s6 =	simm.s32 @!p1 $0x1082;
	[sflag:s4] =	ssyncset.s32 $0xFFFFF086  }
0x25: {  	[simem:s6], [sflag:s4] =	dma.local [hbm:s3], $0xF7A  }
0x26: {  	[smem:$0x3F97] =	sst s1;
	(tag) =	ssettag s2;
	_ =	strace s9  }
0x27: {  	s1 =	sld [smem:$0x3FA7]  }
0x28: {  	s2 =	sld [smem:$0x3FA8]  }
0x29: {  	s4 =	sld [smem:$0x3FAA]  }
0x2a: {  	p0 =	seq.s32 s5, $0x0;
	s5 =	sld [smem:$0x3FAB]  }
0x2b: {  	s6 =	sld [smem:$0x3FAC]  }
0x2c: {  	s7 =	sld [smem:$0x3FAD]  }
0x2d: {  	s3 =	simm.s32 $0x108;
	s8 =	sld [smem:$0x3FAE]  }
0x2e: {  	s3 =	simm.s32 @!p0 $0x1082;
	s9 =	sld [smem:$0x3FAF]  }
0x2f: {  	lr =	sadd.s32 s0, s3;
	s0 =	sld [smem:$0x3FA6]  }
0x30: {  	s3 =	sld [smem:$0x3FA9]  }
0x31: {  	[smem:$0x3FB2] =	sst s10  }
0x32: {  	s10 =	sld [smem:$0x3FB0];
	_ =	sdelay $0x3  }
0x33: {  	p0 =	seq.s32 s10, $0x1;
	s10 =	sld [smem:$0x3FB2];
	_ =	sdelay $0x3  }
0x34: {  	[smem:$0x3FB2] =	sst s10  }
0x35: {  	s10 =	sld [smem:$0x3FB1];
	_ =	sdelay $0x3  }
0x36: {  	p1 =	seq.s32 s10, $0x1;
	s10 =	sld [smem:$0x3FB2];
	_ =	sdelay $0x3  }
0x37: {  	[smem:$0x3FB2] =	sst s10  }
0x38: {  	s10 =	sld [smem:$0x3FB3]  }
0x39: {  	_ = 	snop;
	(pc) =	sbr.ind lr, $3  }
0x3a: {  	_ = 	snop  }
0x3b: {  	_ = 	snop  }
0x3c: {  	p2 =	seq.s32 s10, $0x1;
	s10 =	sld [smem:$0x3FB2]  }
0x3d: {  	_ =	shalt  }
0x3e: {  	_ =	shalt  }
0x3f: {  	_ =	shalt  }
0x40: {  	_ =	shalt  }
0x41: {  	_ =	shalt  }
0x42: {  	_ =	shalt  }
0x43: {  	_ =	shalt  }
0x44: {  	_ =	shalt  }
0x45: {  	_ =	shalt  }
0x46: {  	_ =	shalt  }
0x47: {  	_ =	shalt  }
0x48: {  	_ =	shalt  }
0x49: {  	_ =	shalt  }
0x4a: {  	_ =	shalt  }
0x4b: {  	_ =	shalt  }
0x4c: {  	_ =	shalt  }
0x4d: {  	_ =	shalt  }
0x4e: {  	_ =	shalt  }
0x4f: {  	_ =	shalt  }
0x50: {  	_ =	shalt  }
0x51: {  	_ =	shalt  }
0x52: {  	_ =	shalt  }
0x53: {  	_ =	shalt  }
0x54: {  	_ =	shalt  }
0x55: {  	_ =	shalt  }
0x56: {  	_ =	shalt  }
0x57: {  	_ =	shalt  }
0x58: {  	_ =	shalt  }
0x59: {  	_ =	shalt  }
0x5a: {  	_ =	shalt  }
0x5b: {  	_ =	shalt  }
0x5c: {  	_ =	shalt  }
0x5d: {  	_ =	shalt  }
0x5e: {  	_ =	shalt  }
0x5f: {  	_ =	shalt  }
0x60: {  	_ =	shalt  }
0x61: {  	_ =	shalt  }
0x62: {  	_ =	shalt  }
0x63: {  	_ =	shalt  }
0x64: {  	_ =	shalt  }
0x65: {  	_ =	shalt  }
0x66: {  	_ =	shalt  }
0x67: {  	_ =	shalt  }
0x68: {  	_ =	shalt  }
0x69: {  	_ =	shalt  }
0x6a: {  	_ =	shalt  }
0x6b: {  	_ =	shalt  }
0x6c: {  	_ =	shalt  }
0x6d: {  	_ =	shalt  }
0x6e: {  	_ =	shalt  }
0x6f: {  	_ =	shalt  }
0x70: {  	_ =	shalt  }
0x71: {  	_ =	shalt  }
0x72: {  	_ =	shalt  }
0x73: {  	_ =	shalt  }
0x74: {  	_ =	shalt  }
0x75: {  	_ =	shalt  }
0x76: {  	_ =	shalt  }
0x77: {  	_ =	shalt  }
0x78: {  	_ =	shalt  }
0x79: {  	_ =	shalt  }
0x7a: {  	_ =	shalt  }
0x7b: {  	_ =	shalt  }
0x7c: {  	_ =	shalt  }
0x7d: {  	_ =	shalt  }
0x7e: {  	_ =	shalt  }
0x7f: {  	_ =	shalt  }
0x80: {  	_ =	shalt  }
0x81: {  	_ =	shalt  }
0x82: {  	_ =	shalt  }
0x83: {  	_ =	shalt  }
0x84: {  	_ =	shalt  }
0x85: {  	_ =	shalt  }
0x86: {  	_ =	shalt  }
0x87: {  	_ =	shalt  }
.Lfunc_end0:
.L_simem_size_0:
called_computation.2_lowered:
.L_overlay_start_0:
0x88: {  	s2 =	sld [smem:$0x3FD9]  }
0x89: {  	s3 =	sld [smem:$0x3FFE];
	_ =	sdelay $0x1  }
0x8a: {  	s1 =	srdreg.scid  }
0x8b: {  	s0 =	sand.u32 $0x1, s1  }
0x8c: {  	s16 =	sshll.u32 s0, $0xA;
	s2 =	sadd.s32 s3, s2  }
0x8d: {  	s2 =	sadd.s32 s2, s16  }
0x8e: {  	[smem:$0x3FBE] =	sst s2  }
0x8f: {  	_ = 	snop  }
0x90: {  	(tm) =	ssettm $0x1  }
0x91: {  	s17 =	sld [smem:$0x3FFB];
	_ =	sdelay $0x3  }
0x92: {  	_ =	strace s17  }
0x93: {  	s2 =	sld [smem:$0x3FFC];
	_ =	sdelay $0x3  }
0x94: {  	_ =	strace s2  }
0x95: {  	s2 =	sld [smem:$0x3FFD];
	_ =	sdelay $0x3  }
0x96: {  	_ =	strace s2  }
0x97: {  	_ =	strace $0x8FFFFFFF  }
0x98: {  	s18 =	sld [smem:$0x3FDB];
	_ =	sdelay $0x1  }
0x99: {  	s19 =	simm.s32 $_scs_section_size  }
0x9a: {  	s4 =	simm.s32 $_size__tile_overlayer_lowered;
	s5 =	simm.s32 $_tile_overlayer_lowered  }
0x9b: {  	s22 =	simm.s32 $0x1BFF;
	s21 =	sshll.u32 s5, $0x1;
	s2 =	sadd.s32 s19, s18  }
0x9c: {  	s6 =	simm.s32 $0x0;
	s20 =	sshll.u32 s4, $0x1;
	s4 =	sadd.s32 s21, s2  }
0x9d: {  	[timem:s6], [sflag:s22] =	dma.local [hbm:s4], s20  }
0x9e: {  	_ =	swait.ge [sflag:s22], s20  }
0x9f: {  	s3 =	ssub.s32 $0x0, s20;
	[sflag:s22] =	ssyncset.done $0x0  }
0xa0: {  	[sflag:s22] =	ssyncadd.s32 s3;
	_ =	sdelay $0x1  }
0xa1: {  	s23 =	simm.s32 $0x1B8B  }
0xa2: {  	_ =	swait.ge [sflag:s23], $0x1  }
0xa3: {  	[sflag:s23] =	ssyncset.done $0x0  }
0xa4: {  	s25 =	simm.s32 $0x1B8E;
	s24 =	sld [smem:$0x3FFE];
	[sflag:s23] =	ssyncadd.s32 $0xFFFFFFFF  }
0xa5: {  	s26 =	simm.s32 $execute0_lowered;
	[smem:$0x3FD2] =	sst s25  }
0xa6: {  	s4 =	sshll.u32 s26, $0x1;
	_ =	strace $0x8000004C;
	[dreg:$0x1] =	wrdreg $0xFFFFFFFF  }
0xa7: {  	s28 =	simm.s32 $_size_execute0_lowered;
	s2 =	sadd.s32 s2, s4;
	[dreg:$0x0] =	wrdreg $0x0  }
0xa8: {  	s4 =	sshll.u32 s28, $0x1;
	[dreg:$0x2] =	wrdreg s2  }
0xa9: {  	[dreg:$0x3] =	wrdreg s4  }
0xaa: {  	[dreg:$0x4] =	wrdreg $0xC0  }
0xab: {  	_ =	task [dreg:s6], $0x5FFFF  }
0xac: {  	[dreg:$0x1] =	wrdreg $0xFFFFFFFF  }
0xad: {  	[dreg:$0x0] =	wrdreg $0x60  }
0xae: {  	[dreg:$0x2] =	wrdreg s24  }
0xaf: {  	[dreg:$0x3] =	wrdreg $0x90000  }
0xb0: {  	[dreg:$0x4] =	wrdreg $0x9  }
0xb1: {  	_ =	task.clear_ibuf [dreg:s6], $0x5FFFF;
	_ =	strace $0x9000004C  }
0xb2: {  	s29 =	simm.s32 $0x9;
	_ =	strace $0x8000004E  }
0xb3: {  	_ =	swait.ge [sflag:s29], $0x1  }
0xb4: {  	[sflag:s29] =	ssyncadd.s32 $0xFFFFFFFF  }
0xb5: {  	_ =	strace $0x9000004E  }
0xb6: {  	_ =	sfence  }
0xb7: {  	s30 =	sld [smem:$0x0];
	_ =	sdelay $0x2  }
0xb8: {  	s31 =	sshll.u32 s1, $0xD;
	s1 =	sshrl.u32 s1, $0x2  }
0xb9: {  	s3 =	sand.u32 $0x4000, s31;
	s1 =	sadd.s32 s1, s30  }
0xba: {  	s0 =	sor.u32 s3, s0;
	s1 =	sshll.u32 s1, $0x11  }
0xbb: {  	s0 =	sor.u32 s1, s0  }
0xbc: {  	s0 =	sadd.s32 $0x8F2B, s0  }
0xbd: {  	[sflag:s0] =	ssyncadd.remote.s32 $0x1  }
0xbe: {  	_ =	sfence.sel $0xFFFF  }
0xbf: {  	[dreg:$0x0] =	wrdreg $0xFFFFFFFF;
	(pc) =	sbr.abs _section_cstart, $3  }
0xc0: {  	[dreg:$0x1] =	wrdreg $0xFFFFFFFF  }
0xc1: {  	_ =	task.clear_ibuf [dreg:s6], $0x2FFFF;
	_ =	strace $0x9FFFFFFF  }
0xc2: {  	(tm) =	ssettm $0x7FFFFFFF  }
0xc3: {  	_ =	shalt  }
tec
execute0_lowered:
.L_overlay_start_1:
0x0: {  	(tag) =	ssettag $0x1  }
0x1: {  	s6 =	rddreg [dreg:$0x0]  }
0x2: {  	s0 =	srdreg.scid;
	s2 =	rddreg [dreg:$0x1]  }
0x3: {  	s3 =	simm.s32 $0x0;
	s14 =	simm.s32 $0x7D;
	s15 =	simm.s32 $0x5000  }
0x4: {  	s16 =	simm.s32 $0x1;
	s5 =	sand.u32 $0x1, s0;
	s0 =	stileid.u32  }
0x5: {  	s17 =	simm.s32 $0x0;
	[smem:$0x7FF] =	sst s3;
	s8 =	smul.u32 $0x140000, s5  }
0x6: {  	s4 =	sadd.s32 $0x11E00, s6;
	s1 =	sshll.u32 s5, $0x4;
	s9 =	smul.u32 $0x14000, s0  }
0x7: {  	s30 =	ssub.s32 $0x2, s5;
	s11 =	smul.u32 $0x50000, s0;
	s5 =	sadd.s32 $0xF600, s6  }
0x8: {  	s12 =	sshll.u32 s0, $0x6;
	s1 =	sor.u32 s0, s1;
	s10 =	sshrl.u32 s30, $0x1  }
0x9: {  	s12 =	sor.u32 $0x1C02, s12;
	s7 =	smul.u32 $0x500, s1;
	s1 =	rddreg [dreg:$0x2]  }
0xa: {  	_ =	strace $0x8000004D;
	s8 =	sadd.s32 s9, s8;
	s9 =	ssub.s32 s30, s10  }
0xb: {  	s31 =	sshrl.u32 s11, $0x2;
	s10 =	simm.s32 $0x2;
	s11 =	simm.s32 $0x2800  }
0xc: {  	s8 =	sshrl.u32 s8, $0x3;
	s13 =	sadd.s32 s31, s2;
	s9 =	smax.u32 s9, $0x1  }
0xd: {  	s7 =	sadd.s32 s7, s6;
	s8 =	sadd.s32 s8, s6;
	s13 =	sshrl.u32 s13, $0x3  }
0xe: {  	s6 =	sadd.s32 $0x62600, s7;
	s7 =	sadd.s32 $0x5600, s7;
	s8 =	sadd.s32 $0xBC600, s8  }
.LBB2_1:
0xf: {  	[tilespmem:s3], [sflag:$0x2] =	stream.linear.gather [hbm4b:s6+s3], $0x2800, $0x38;
	[tilespmem:$0x1D000] =	vst v63  }
0x10: {  	_ =	swait.ge [sflag:s10], $0x2800  }
0x11: {  	[sflag:s10] =	ssyncset.done $0x0  }
0x12: {  	[sflag:s10] =	ssyncadd.s32 $0xFFFFD800  }
0x13: {  	[tilespmem:s11], [sflag:$0x2] =	stream.linear.gather [hbm4b:s7+s3], $0x2800, $0x38;
	[tilespmem:$0x1D000] =	vst v63  }
0x14: {  	_ =	swait.ge [sflag:s10], $0x2800  }
0x15: {  	[sflag:s10] =	ssyncset.done $0x0  }
0x16: {  	[sflag:s10] =	ssyncadd.s32 $0xFFFFD800  }
0x17: {  	[spmem:s13], [sflag:s12] =	dma.local [hbm:s5], $0x2800  }
0x18: {  	_ =	swait.ge [sflag:s10], $0x2800  }
0x19: {  	[sflag:s10] =	ssyncset.done $0x0  }
0x1a: {  	[sflag:s10] =	ssyncadd.s32 $0xFFFFD800  }
0x1b: {  	s18 =	simm.s32 $0x0;
	[bflag:$0x0] =	sbarrier.arrive $0xFFFF  }
0x1c: {  	[tilespmem:s15], [sflag:$0x1] =	stream.indirect.gather [hbm4b:s4+s14], $0x80, s18, s14, $0xb8;
	[tilespmem:$0x1D000] =	vst v63  }
0x1d: {  	_ =	swait.ge [sflag:s16], $0x3E80  }
0x1e: {  	[sflag:s16] =	ssyncset.done $0x0  }
0x1f: {  	s31 =	simm.s32 $0x2800;
	[sflag:s16] =	ssyncadd.s32 $0xFFFFC180  }
0x20: {  	[spmem:s2] =	stream.indirect.scatter.add.f32 [tilespmem:s15], [sflag:$0x2], $0x80, s31, s14, $0xb8;
	[tilespmem:$0x1D000] =	vst v63  }
0x21: {  	_ =	swait.ge [sflag:s10], $0x3E80  }
0x22: {  	s19 =	simm.s32 $0x400;
	s18 =	simm.s32 $0x200;
	[sflag:s10] =	ssyncset.done $0x0  }
.LBB2_2:
0x23: {  	s20 =	sshra.s32 s18, $0x2  }
0x24: {  	[sflag:s10] =	ssyncadd.s32 $0xFFFFC180;
	s18 =	smov.u32 s19;
	s21 =	sadd.s32 $0x200, s19  }
0x25: {  	[tilespmem:s15], [sflag:$0x1] =	stream.indirect.gather [hbm4b:s4+s14], $0x80, s20, s14, $0xb8;
	[tilespmem:$0x1D000] =	vst v63  }
0x26: {  	p0 =	sne.s32 s19, $0x9E00;
	_ =	swait.ge [sflag:s16], $0x3E80  }
.Ltmp0:
0x27: {  	[sflag:s16] =	ssyncset.done $0x0;
	(pc) =	sbr.rel @p0 .LBB2_2-.Ltmp0, $4  }
0x28: {  	s19 =	sadd.s32 $0x2800, s20;
	[sflag:s16] =	ssyncadd.s32 $0xFFFFC180  }
0x29: {  	[spmem:s2] =	stream.indirect.scatter.add.f32 [tilespmem:s15], [sflag:$0x2], $0x80, s19, s14, $0xb8;
	[tilespmem:$0x1D000] =	vst v63  }
0x2a: {  	_ =	swait.ge [sflag:s10], $0x3E80  }
0x2b: {  	s19 =	smov.u32 s21;
	[sflag:s10] =	ssyncset.done $0x0  }
0x2c: {  	s18 =	sshra.s32 s18, $0x2;
	[sflag:s10] =	ssyncadd.s32 $0xFFFFC180  }
0x2d: {  	[tilespmem:s15], [sflag:$0x1] =	stream.indirect.gather [hbm4b:s4+s14], $0x80, s18, s14, $0xb8;
	[tilespmem:$0x1D000] =	vst v63  }
0x2e: {  	_ =	swait.ge [sflag:s16], $0x3E80  }
0x2f: {  	[sflag:s16] =	ssyncset.done $0x0  }
0x30: {  	s18 =	sadd.s32 $0x2800, s18;
	[sflag:s16] =	ssyncadd.s32 $0xFFFFC180  }
0x31: {  	[spmem:s2] =	stream.indirect.scatter.add.f32 [tilespmem:s15], [sflag:$0x2], $0x80, s18, s14, $0xb8;
	[tilespmem:$0x1D000] =	vst v63  }
0x32: {  	_ =	swait.ge [sflag:s10], $0x3E80  }
0x33: {  	s17 =	sadd.s32 $0x1, s17;
	[sflag:s10] =	ssyncset.done $0x0  }
0x34: {  	p0 =	sne.s32 s17, s9;
	[sflag:s10] =	ssyncadd.s32 $0xFFFFC180  }
.Ltmp1:
0x35: {  	[bflag:$0x0] =	sbarrier.arrive $0xFFFF;
	(pc) =	sbr.rel @p0 .LBB2_1-.Ltmp1, $4  }
0x36: {  	[hbm:s8], [sflag:s12] =	dma.local [spmem:s13], $0x2800  }
0x37: {  	_ =	swait.ge [sflag:s10], $0x2800  }
0x38: {  	[sflag:s10] =	ssyncset.done $0x0  }
0x39: {  	[sflag:s10] =	ssyncadd.s32 $0xFFFFD800  }
0x3a: {  	_ =	sfence.sel $0x180000  }
0x3b: {  	[bflag:$0x0] =	sbarrier.arrive $0xFFFF  }
0x3c: {  	p0 =	sne.s32 s0, $0x0;
	_ =	strace $0x9000004D  }
0x3d: {  	s0 =	sadd.s32 @!p0 $0x100000, s1;
	[bflag:$0x2] =	sbarrier.arrive $0xFFFF  }
0x3e: {  	[sflag:s0] =	ssyncadd.tile.s32 @!p0 $0x1;
	_ =	shalt  }
.Lfunc_end2:
_tile_overlayer_lowered:
.L_overlay_start_2:
0x3f: {  	(tag) =	ssettag $0x2  }
0x40: {  	s0 =	rddreg [dreg:$0x0];
	s2 =	stileid.u32  }
0x41: {  	s1 =	rddreg [dreg:$0x1];
	p0 =	sne.s32 s2, $0x0  }
0x42: {  	s3 =	rddreg [dreg:$0x2];
	[bflag:$0x3] =	sbarrier.arrive $0xFFFF;
	s2 =	simm.s32 @!p0 $0x1C02  }
0x43: {  	[timem:s3], [sflag:s2] =	dma.local @!p0 [hbm:s0], s1  }
0x44: {  	s0 =	simm.s32 @!p0 $0x2  }
0x45: {  	_ =	swait.ge @!p0 [sflag:s0], s1  }
0x46: {  	s1 =	ssub.s32 @!p0 $0x0, s1;
	[sflag:s0] =	ssyncset.done @!p0 $0x0  }
0x47: {  	[sflag:s0] =	ssyncadd.s32 @!p0 s1  }
0x48: {  	[bflag:$0x3] =	sbarrier.arrive $0xFFFF  }
0x49: {  	_ =	shalt  }

// kernel: kernel.20.cloned.1.call-start
scs
__scs_entry_jumppad:
0x0: {  	(pc) =	sbr.rel $0x88, $3  }
0x1: {  	(tag) =	ssettag $0x0;
	lr =	simm.s32 $0x1  }
0x2: {  	[smem:$0x3F97] =	sst lr;
	_ =	strace $0xD0000000  }
0x3: {  	_ = 	snop  }
0x4: {  	_ = 	snop  }
0x5: {  	_ = 	snop  }
0x6: {  	_ = 	snop  }
0x7: {  	_ = 	snop  }
__scs_overlays_trampoline_lowered:
0x8: {  	[smem:$0x3FA6] =	sst s0  }
0x9: {  	[smem:$0x3FA7] =	sst s1  }
0xa: {  	[smem:$0x3FA8] =	sst s2  }
0xb: {  	[smem:$0x3FA9] =	sst s3  }
0xc: {  	[smem:$0x3FAA] =	sst s4  }
0xd: {  	[smem:$0x3FAB] =	sst s5  }
0xe: {  	[smem:$0x3FAC] =	sst s6  }
0xf: {  	[smem:$0x3FAD] =	sst s7  }
0x10: {  	[smem:$0x3FAE] =	sst s8  }
0x11: {  	[smem:$0x3FAF] =	sst s9;
	s0 =	simm.s32 @!p0 $0x0  }
0x12: {  	s1 =	sld [smem:$0x3F95];
	s0 =	simm.s32 @p0 $0x1  }
0x13: {  	[smem:$0x3FB0] =	sst s0;
	s0 =	simm.s32 @!p1 $0x0  }
0x14: {  	s2 =	sld [smem:$0x3F94];
	s0 =	simm.s32 @p1 $0x1  }
0x15: {  	[smem:$0x3FB1] =	sst s0;
	s0 =	simm.s32 @!p2 $0x0  }
0x16: {  	s3 =	sld [smem:$0x3FDB];
	s0 =	simm.s32 @p2 $0x1  }
0x17: {  	s4 =	simm.s32 $0x1BF5;
	[smem:$0x3FB3] =	sst s0  }
0x18: {  	s0 =	sld [smem:$0x3F96];
	_ =	swait.ge [sflag:s4], $0x0  }
0x19: {  	s7 =	sld [smem:$0x3F97]  }
0x1a: {  	s8 =	sadd.s32 $0xFFFFE003, lr  }
0x1b: {  	s9 =	sadd.s32 $0xFFFFFEF7, lr;
	s5 =	simm.s32 $0xFFFFFFFF;
	p2 =	slt.u32 s8, $0xFFFFF086  }
0x1c: {  	p1 =	slt.u32 s9, $0xF7A;
	s5 =	simm.s32 @!p2 $0x0  }
0x1d: {  	s5 =	simm.s32 @p1 $0x1;
	p0 =	seq.s32 s7, s2  }
0x1e: {  	s7 =	smul.u32 @!p0 $0xF7A, s2;
	p2 =	seq.s32 @!p0 s5, $0x0  }
0x1f: {  	s9 =	smul.u32 $0xF7A, s1;
	s8 =	simm.s32 @!p0 $0x1BF5;
	p2 =	por !p2, p0  }
0x20: {  	[sflag:s8] =	ssyncset.s32 @!p0 $0xFFFFF086;
	s6 =	sadd.s32 @!p0 s3, s7;
	s7 =	simm.s32 @!p0 $0x108  }
0x21: {  	s3 =	sadd.s32 s3, s9;
	s6 =	sadd.s32 @!p0 $0x88, s6;
	s7 =	simm.s32 @p2 $0x1082  }
0x22: {  	[simem:s7], [sflag:s8] =	dma.local @!p0 [hbm:s6], $0xF7A  }
0x23: {  	s9 =	sor.u32 $0xD0000000, s2;
	s6 =	simm.s32 $0x108;
	_ =	swait.ge @!p0 [sflag:s8], $0x0  }
0x24: {  	s3 =	sadd.s32 $0x88, s3;
	s6 =	simm.s32 @!p1 $0x1082;
	[sflag:s4] =	ssyncset.s32 $0xFFFFF086  }
0x25: {  	[simem:s6], [sflag:s4] =	dma.local [hbm:s3], $0xF7A  }
0x26: {  	[smem:$0x3F97] =	sst s1;
	(tag) =	ssettag s2;
	_ =	strace s9  }
0x27: {  	s1 =	sld [smem:$0x3FA7]  }
0x28: {  	s2 =	sld [smem:$0x3FA8]  }
0x29: {  	s4 =	sld [smem:$0x3FAA]  }
0x2a: {  	p0 =	seq.s32 s5, $0x0;
	s5 =	sld [smem:$0x3FAB]  }
0x2b: {  	s6 =	sld [smem:$0x3FAC]  }
0x2c: {  	s7 =	sld [smem:$0x3FAD]  }
0x2d: {  	s3 =	simm.s32 $0x108;
	s8 =	sld [smem:$0x3FAE]  }
0x2e: {  	s3 =	simm.s32 @!p0 $0x1082;
	s9 =	sld [smem:$0x3FAF]  }
0x2f: {  	lr =	sadd.s32 s0, s3;
	s0 =	sld [smem:$0x3FA6]  }
0x30: {  	s3 =	sld [smem:$0x3FA9]  }
0x31: {  	[smem:$0x3FB2] =	sst s10  }
0x32: {  	s10 =	sld [smem:$0x3FB0];
	_ =	sdelay $0x3  }
0x33: {  	p0 =	seq.s32 s10, $0x1;
	s10 =	sld [smem:$0x3FB2];
	_ =	sdelay $0x3  }
0x34: {  	[smem:$0x3FB2] =	sst s10  }
0x35: {  	s10 =	sld [smem:$0x3FB1];
	_ =	sdelay $0x3  }
0x36: {  	p1 =	seq.s32 s10, $0x1;
	s10 =	sld [smem:$0x3FB2];
	_ =	sdelay $0x3  }
0x37: {  	[smem:$0x3FB2] =	sst s10  }
0x38: {  	s10 =	sld [smem:$0x3FB3]  }
0x39: {  	_ = 	snop;
	(pc) =	sbr.ind lr, $3  }
0x3a: {  	_ = 	snop  }
0x3b: {  	_ = 	snop  }
0x3c: {  	p2 =	seq.s32 s10, $0x1;
	s10 =	sld [smem:$0x3FB2]  }
0x3d: {  	_ =	shalt  }
0x3e: {  	_ =	shalt  }
0x3f: {  	_ =	shalt  }
0x40: {  	_ =	shalt  }
0x41: {  	_ =	shalt  }
0x42: {  	_ =	shalt  }
0x43: {  	_ =	shalt  }
0x44: {  	_ =	shalt  }
0x45: {  	_ =	shalt  }
0x46: {  	_ =	shalt  }
0x47: {  	_ =	shalt  }
0x48: {  	_ =	shalt  }
0x49: {  	_ =	shalt  }
0x4a: {  	_ =	shalt  }
0x4b: {  	_ =	shalt  }
0x4c: {  	_ =	shalt  }
0x4d: {  	_ =	shalt  }
0x4e: {  	_ =	shalt  }
0x4f: {  	_ =	shalt  }
0x50: {  	_ =	shalt  }
0x51: {  	_ =	shalt  }
0x52: {  	_ =	shalt  }
0x53: {  	_ =	shalt  }
0x54: {  	_ =	shalt  }
0x55: {  	_ =	shalt  }
0x56: {  	_ =	shalt  }
0x57: {  	_ =	shalt  }
0x58: {  	_ =	shalt  }
0x59: {  	_ =	shalt  }
0x5a: {  	_ =	shalt  }
0x5b: {  	_ =	shalt  }
0x5c: {  	_ =	shalt  }
0x5d: {  	_ =	shalt  }
0x5e: {  	_ =	shalt  }
0x5f: {  	_ =	shalt  }
0x60: {  	_ =	shalt  }
0x61: {  	_ =	shalt  }
0x62: {  	_ =	shalt  }
0x63: {  	_ =	shalt  }
0x64: {  	_ =	shalt  }
0x65: {  	_ =	shalt  }
0x66: {  	_ =	shalt  }
0x67: {  	_ =	shalt  }
0x68: {  	_ =	shalt  }
0x69: {  	_ =	shalt  }
0x6a: {  	_ =	shalt  }
0x6b: {  	_ =	shalt  }
0x6c: {  	_ =	shalt  }
0x6d: {  	_ =	shalt  }
0x6e: {  	_ =	shalt  }
0x6f: {  	_ =	shalt  }
0x70: {  	_ =	shalt  }
0x71: {  	_ =	shalt  }
0x72: {  	_ =	shalt  }
0x73: {  	_ =	shalt  }
0x74: {  	_ =	shalt  }
0x75: {  	_ =	shalt  }
0x76: {  	_ =	shalt  }
0x77: {  	_ =	shalt  }
0x78: {  	_ =	shalt  }
0x79: {  	_ =	shalt  }
0x7a: {  	_ =	shalt  }
0x7b: {  	_ =	shalt  }
0x7c: {  	_ =	shalt  }
0x7d: {  	_ =	shalt  }
0x7e: {  	_ =	shalt  }
0x7f: {  	_ =	shalt  }
0x80: {  	_ =	shalt  }
0x81: {  	_ =	shalt  }
0x82: {  	_ =	shalt  }
0x83: {  	_ =	shalt  }
0x84: {  	_ =	shalt  }
0x85: {  	_ =	shalt  }
0x86: {  	_ =	shalt  }
0x87: {  	_ =	shalt  }
.Lfunc_end0:
.L_simem_size_0:
called_computation.3_lowered:
.L_overlay_start_0:
0x88: {  	s2 =	sld [smem:$0x3FD9]  }
0x89: {  	s3 =	sld [smem:$0x3FFE];
	_ =	sdelay $0x1  }
0x8a: {  	s1 =	srdreg.scid  }
0x8b: {  	s0 =	sand.u32 $0x1, s1  }
0x8c: {  	s16 =	sshll.u32 s0, $0xA;
	s2 =	sadd.s32 s3, s2  }
0x8d: {  	s2 =	sadd.s32 s2, s16  }
0x8e: {  	[smem:$0x3FBE] =	sst s2  }
0x8f: {  	_ = 	snop  }
0x90: {  	(tm) =	ssettm $0x1  }
0x91: {  	s17 =	sld [smem:$0x3FFB];
	_ =	sdelay $0x3  }
0x92: {  	_ =	strace s17  }
0x93: {  	s2 =	sld [smem:$0x3FFC];
	_ =	sdelay $0x3  }
0x94: {  	_ =	strace s2  }
0x95: {  	s2 =	sld [smem:$0x3FFD];
	_ =	sdelay $0x3  }
0x96: {  	_ =	strace s2  }
0x97: {  	_ =	strace $0x8FFFFFFF  }
0x98: {  	s18 =	sld [smem:$0x3FDB];
	_ =	sdelay $0x1  }
0x99: {  	s19 =	simm.s32 $_scs_section_size  }
0x9a: {  	s4 =	simm.s32 $_size__tile_overlayer_lowered;
	s5 =	simm.s32 $_tile_overlayer_lowered  }
0x9b: {  	s22 =	simm.s32 $0x1BFF;
	s21 =	sshll.u32 s5, $0x1;
	s2 =	sadd.s32 s19, s18  }
0x9c: {  	s6 =	simm.s32 $0x0;
	s20 =	sshll.u32 s4, $0x1;
	s4 =	sadd.s32 s21, s2  }
0x9d: {  	[timem:s6], [sflag:s22] =	dma.local [hbm:s4], s20  }
0x9e: {  	_ =	swait.ge [sflag:s22], s20  }
0x9f: {  	s3 =	ssub.s32 $0x0, s20;
	[sflag:s22] =	ssyncset.done $0x0  }
0xa0: {  	[sflag:s22] =	ssyncadd.s32 s3;
	_ =	sdelay $0x1  }
0xa1: {  	s23 =	simm.s32 $0x1B8B  }
0xa2: {  	_ =	swait.ge [sflag:s23], $0x1  }
0xa3: {  	[sflag:s23] =	ssyncset.done $0x0  }
0xa4: {  	s25 =	simm.s32 $0x1B8E;
	s24 =	sld [smem:$0x3FFE];
	[sflag:s23] =	ssyncadd.s32 $0xFFFFFFFF  }
0xa5: {  	s26 =	simm.s32 $execute0_lowered;
	[smem:$0x3FD2] =	sst s25  }
0xa6: {  	s4 =	sshll.u32 s26, $0x1;
	_ =	strace $0x8000004F;
	[dreg:$0x1] =	wrdreg $0xFFFFFFFF  }
0xa7: {  	s28 =	simm.s32 $_size_execute0_lowered;
	s2 =	sadd.s32 s2, s4;
	[dreg:$0x0] =	wrdreg $0x0  }
0xa8: {  	s4 =	sshll.u32 s28, $0x1;
	[dreg:$0x2] =	wrdreg s2  }
0xa9: {  	[dreg:$0x3] =	wrdreg s4  }
0xaa: {  	[dreg:$0x4] =	wrdreg $0xC0  }
0xab: {  	_ =	task [dreg:s6], $0x5FFFF  }
0xac: {  	[dreg:$0x1] =	wrdreg $0xFFFFFFFF  }
0xad: {  	[dreg:$0x0] =	wrdreg $0x60  }
0xae: {  	[dreg:$0x2] =	wrdreg s24  }
0xaf: {  	[dreg:$0x3] =	wrdreg $0x90000  }
0xb0: {  	[dreg:$0x4] =	wrdreg $0x9  }
0xb1: {  	_ =	task.clear_ibuf [dreg:s6], $0x5FFFF;
	_ =	strace $0x9000004F  }
0xb2: {  	s29 =	simm.s32 $0x9;
	_ =	strace $0x80000051  }
0xb3: {  	_ =	swait.ge [sflag:s29], $0x1  }
0xb4: {  	[sflag:s29] =	ssyncadd.s32 $0xFFFFFFFF  }
0xb5: {  	_ =	strace $0x90000051  }
0xb6: {  	_ =	sfence  }
0xb7: {  	s30 =	sld [smem:$0x0];
	_ =	sdelay $0x2  }
0xb8: {  	s31 =	sshll.u32 s1, $0xD;
	s1 =	sshrl.u32 s1, $0x2  }
0xb9: {  	s3 =	sand.u32 $0x4000, s31;
	s1 =	sadd.s32 s1, s30  }
0xba: {  	s0 =	sor.u32 s3, s0;
	s1 =	sshll.u32 s1, $0x11  }
0xbb: {  	s0 =	sor.u32 s1, s0  }
0xbc: {  	s0 =	sadd.s32 $0x8F2B, s0  }
0xbd: {  	[sflag:s0] =	ssyncadd.remote.s32 $0x1  }
0xbe: {  	_ =	sfence.sel $0xFFFF  }
0xbf: {  	[dreg:$0x0] =	wrdreg $0xFFFFFFFF;
	(pc) =	sbr.abs _section_cstart, $3  }
0xc0: {  	[dreg:$0x1] =	wrdreg $0xFFFFFFFF  }
0xc1: {  	_ =	task.clear_ibuf [dreg:s6], $0x2FFFF;
	_ =	strace $0x9FFFFFFF  }
0xc2: {  	(tm) =	ssettm $0x7FFFFFFF  }
0xc3: {  	_ =	shalt  }
tec
execute0_lowered:
.L_overlay_start_1:
0x0: {  	(tag) =	ssettag $0x1  }
0x1: {  	s6 =	rddreg [dreg:$0x0]  }
0x2: {  	s0 =	srdreg.scid;
	s2 =	rddreg [dreg:$0x1]  }
0x3: {  	s3 =	simm.s32 $0x0;
	s14 =	simm.s32 $0x7D;
	s15 =	simm.s32 $0x5000  }
0x4: {  	s16 =	simm.s32 $0x1;
	s5 =	sand.u32 $0x1, s0;
	s0 =	stileid.u32  }
0x5: {  	s17 =	simm.s32 $0x0;
	[smem:$0x7FF] =	sst s3;
	s8 =	smul.u32 $0x140000, s5  }
0x6: {  	s4 =	sadd.s32 $0x11E00, s6;
	s1 =	sshll.u32 s5, $0x4;
	s9 =	smul.u32 $0x14000, s0  }
0x7: {  	s30 =	ssub.s32 $0x2, s5;
	s11 =	smul.u32 $0x50000, s0;
	s5 =	sadd.s32 $0xF600, s6  }
0x8: {  	s12 =	sshll.u32 s0, $0x6;
	s1 =	sor.u32 s0, s1;
	s10 =	sshrl.u32 s30, $0x1  }
0x9: {  	s12 =	sor.u32 $0x1C02, s12;
	s7 =	smul.u32 $0x500, s1;
	s1 =	rddreg [dreg:$0x2]  }
0xa: {  	_ =	strace $0x80000050;
	s8 =	sadd.s32 s9, s8;
	s9 =	ssub.s32 s30, s10  }
0xb: {  	s31 =	sshrl.u32 s11, $0x2;
	s10 =	simm.s32 $0x2;
	s11 =	simm.s32 $0x2800  }
0xc: {  	s8 =	sshrl.u32 s8, $0x3;
	s13 =	sadd.s32 s31, s2;
	s9 =	smax.u32 s9, $0x1  }
0xd: {  	s7 =	sadd.s32 s7, s6;
	s8 =	sadd.s32 s8, s6;
	s13 =	sshrl.u32 s13, $0x3  }
0xe: {  	s6 =	sadd.s32 $0x62600, s7;
	s7 =	sadd.s32 $0x5600, s7;
	s8 =	sadd.s32 $0xBC600, s8  }
.LBB2_1:
0xf: {  	[tilespmem:s3], [sflag:$0x2] =	stream.linear.gather [hbm4b:s6+s3], $0x2800, $0x38;
	[tilespmem:$0x1D000] =	vst v63  }
0x10: {  	_ =	swait.ge [sflag:s10], $0x2800  }
0x11: {  	[sflag:s10] =	ssyncset.done $0x0  }
0x12: {  	[sflag:s10] =	ssyncadd.s32 $0xFFFFD800  }
0x13: {  	[tilespmem:s11], [sflag:$0x2] =	stream.linear.gather [hbm4b:s7+s3], $0x2800, $0x38;
	[tilespmem:$0x1D000] =	vst v63  }
0x14: {  	_ =	swait.ge [sflag:s10], $0x2800  }
0x15: {  	[sflag:s10] =	ssyncset.done $0x0  }
0x16: {  	[sflag:s10] =	ssyncadd.s32 $0xFFFFD800  }
0x17: {  	[spmem:s13], [sflag:s12] =	dma.local [hbm:s5], $0x2800  }
0x18: {  	_ =	swait.ge [sflag:s10], $0x2800  }
0x19: {  	[sflag:s10] =	ssyncset.done $0x0  }
0x1a: {  	[sflag:s10] =	ssyncadd.s32 $0xFFFFD800  }
0x1b: {  	s18 =	simm.s32 $0x0;
	[bflag:$0x0] =	sbarrier.arrive $0xFFFF  }
0x1c: {  	[tilespmem:s15], [sflag:$0x1] =	stream.indirect.gather [hbm4b:s4+s14], $0x80, s18, s14, $0xb8;
	[tilespmem:$0x1D000] =	vst v63  }
0x1d: {  	_ =	swait.ge [sflag:s16], $0x3E80  }
0x1e: {  	[sflag:s16] =	ssyncset.done $0x0  }
0x1f: {  	s31 =	simm.s32 $0x2800;
	[sflag:s16] =	ssyncadd.s32 $0xFFFFC180  }
0x20: {  	[spmem:s2] =	stream.indirect.scatter.add.f32 [tilespmem:s15], [sflag:$0x2], $0x80, s31, s14, $0xb8;
	[tilespmem:$0x1D000] =	vst v63  }
0x21: {  	_ =	swait.ge [sflag:s10], $0x3E80  }
0x22: {  	s19 =	simm.s32 $0x400;
	s18 =	simm.s32 $0x200;
	[sflag:s10] =	ssyncset.done $0x0  }
.LBB2_2:
0x23: {  	s20 =	sshra.s32 s18, $0x2  }
0x24: {  	[sflag:s10] =	ssyncadd.s32 $0xFFFFC180;
	s18 =	smov.u32 s19;
	s21 =	sadd.s32 $0x200, s19  }
0x25: {  	[tilespmem:s15], [sflag:$0x1] =	stream.indirect.gather [hbm4b:s4+s14], $0x80, s20, s14, $0xb8;
	[tilespmem:$0x1D000] =	vst v63  }
0x26: {  	p0 =	sne.s32 s19, $0x9E00;
	_ =	swait.ge [sflag:s16], $0x3E80  }
.Ltmp0:
0x27: {  	[sflag:s16] =	ssyncset.done $0x0;
	(pc) =	sbr.rel @p0 .LBB2_2-.Ltmp0, $4  }
0x28: {  	s19 =	sadd.s32 $0x2800, s20;
	[sflag:s16] =	ssyncadd.s32 $0xFFFFC180  }
0x29: {  	[spmem:s2] =	stream.indirect.scatter.add.f32 [tilespmem:s15], [sflag:$0x2], $0x80, s19, s14, $0xb8;
	[tilespmem:$0x1D000] =	vst v63  }
0x2a: {  	_ =	swait.ge [sflag:s10], $0x3E80  }
0x2b: {  	s19 =	smov.u32 s21;
	[sflag:s10] =	ssyncset.done $0x0  }
0x2c: {  	s18 =	sshra.s32 s18, $0x2;
	[sflag:s10] =	ssyncadd.s32 $0xFFFFC180  }
0x2d: {  	[tilespmem:s15], [sflag:$0x1] =	stream.indirect.gather [hbm4b:s4+s14], $0x80, s18, s14, $0xb8;
	[tilespmem:$0x1D000] =	vst v63  }
0x2e: {  	_ =	swait.ge [sflag:s16], $0x3E80  }
0x2f: {  	[sflag:s16] =	ssyncset.done $0x0  }
0x30: {  	s18 =	sadd.s32 $0x2800, s18;
	[sflag:s16] =	ssyncadd.s32 $0xFFFFC180  }
0x31: {  	[spmem:s2] =	stream.indirect.scatter.add.f32 [tilespmem:s15], [sflag:$0x2], $0x80, s18, s14, $0xb8;
	[tilespmem:$0x1D000] =	vst v63  }
0x32: {  	_ =	swait.ge [sflag:s10], $0x3E80  }
0x33: {  	s17 =	sadd.s32 $0x1, s17;
	[sflag:s10] =	ssyncset.done $0x0  }
0x34: {  	p0 =	sne.s32 s17, s9;
	[sflag:s10] =	ssyncadd.s32 $0xFFFFC180  }
.Ltmp1:
0x35: {  	[bflag:$0x0] =	sbarrier.arrive $0xFFFF;
	(pc) =	sbr.rel @p0 .LBB2_1-.Ltmp1, $4  }
0x36: {  	[hbm:s8], [sflag:s12] =	dma.local [spmem:s13], $0x2800  }
0x37: {  	_ =	swait.ge [sflag:s10], $0x2800  }
0x38: {  	[sflag:s10] =	ssyncset.done $0x0  }
0x39: {  	[sflag:s10] =	ssyncadd.s32 $0xFFFFD800  }
0x3a: {  	_ =	sfence.sel $0x180000  }
0x3b: {  	[bflag:$0x0] =	sbarrier.arrive $0xFFFF  }
0x3c: {  	p0 =	sne.s32 s0, $0x0;
	_ =	strace $0x90000050  }
0x3d: {  	s0 =	sadd.s32 @!p0 $0x100000, s1;
	[bflag:$0x2] =	sbarrier.arrive $0xFFFF  }
0x3e: {  	[sflag:s0] =	ssyncadd.tile.s32 @!p0 $0x1;
	_ =	shalt  }
.Lfunc_end2:
_tile_overlayer_lowered:
.L_overlay_start_2:
0x3f: {  	(tag) =	ssettag $0x2  }
0x40: {  	s0 =	rddreg [dreg:$0x0];
	s2 =	stileid.u32  }
0x41: {  	s1 =	rddreg [dreg:$0x1];
	p0 =	sne.s32 s2, $0x0  }
0x42: {  	s3 =	rddreg [dreg:$0x2];
	[bflag:$0x3] =	sbarrier.arrive $0xFFFF;
	s2 =	simm.s32 @!p0 $0x1C02  }
0x43: {  	[timem:s3], [sflag:s2] =	dma.local @!p0 [hbm:s0], s1  }
0x44: {  	s0 =	simm.s32 @!p0 $0x2  }
0x45: {  	_ =	swait.ge @!p0 [sflag:s0], s1  }
0x46: {  	s1 =	ssub.s32 @!p0 $0x0, s1;
	[sflag:s0] =	ssyncset.done @!p0 $0x0  }
0x47: {  	[sflag:s0] =	ssyncadd.s32 @!p0 s1  }
0x48: {  	[bflag:$0x3] =	sbarrier.arrive $0xFFFF  }
0x49: {  	_ =	shalt  }

</sc_bundles>
